<compile_context>
chip_gen: v7x
topology: tpu7x:2x2x1
jax: 0.10.2.dev20260603
libtpu: 0.0.44.dev20260713+nightly
codegen_flags: <defaults>
</compile_context>

<pallas_src>
import functools

import jax
import jax.numpy as jnp
from jax import lax
from jax.experimental import pallas as pl
from jax.experimental.pallas import tpu as pltpu
from jax.experimental.pallas import tpu_sc as plsc

N_ENTITY = 10000
N_EDGES = 160000
NUM_REL = 12
NUM_BASES = 8
HID = 768
ENT_HID = 384
TOK_HID = 768
N_LAYER = 12
N_BLOCK = 2
B = 16
ENT_LEN = 32
TOK_LEN = 128
N_HEAD = 12
HEAD_DIM = 64

NC = 2
NS = 16
LANES = 16

CHUNK = 256
NCHUNK = 40
NPASS = NCHUNK // NC
ACC_ROWS = NUM_REL * CHUNK
ACC_PAD = ACC_ROWS + 128
ZROWS = ACC_PAD // NS
WROWS = ACC_ROWS // NS
EDGE_SHARD = N_EDGES // NS
SUBC = 2000
NSUB = EDGE_SHARD // SUBC
NVREG = SUBC // LANES
RBUF = 32
MROWS = 64

N_PAD = NCHUNK * CHUNK


FW = 128
NFW = ENT_HID // FW


def _seg_accumulate(xws, edges_packed):
  mesh = plsc.VectorSubcoreMesh(
      core_axis_name="c", subcore_axis_name="s", num_cores=NC,
      num_subcores=NS)

  z128 = jnp.zeros((ZROWS, FW), jnp.float32)
  z16 = jnp.zeros((ZROWS, 16), jnp.float32)
  ones16 = jnp.ones((RBUF, 16), jnp.float32)

  @functools.partial(
      pl.kernel, mesh=mesh,
      compiler_params=pltpu.CompilerParams(needs_layout_passes=False),
      out_type=(
          [jax.ShapeDtypeStruct((NCHUNK, ACC_ROWS, FW), jnp.float32)
           for _ in range(NFW)],
          jax.ShapeDtypeStruct((NCHUNK, ACC_ROWS, 16), jnp.float32),
      ),
      scratch_types=[
          [pltpu.VMEM_SHARED((ACC_PAD, FW), jnp.float32)
           for _ in range(NFW)],
          pltpu.VMEM_SHARED((ACC_PAD, 16), jnp.float32),
          pltpu.VMEM((3 * SUBC,), jnp.int32),
          pltpu.VMEM((MROWS, RBUF), jnp.int32),
          pltpu.VMEM((MROWS, RBUF), jnp.int32),
          [pltpu.VMEM((RBUF, FW), jnp.float32) for _ in range(NFW)],
          pltpu.VMEM((RBUF, 16), jnp.float32),
          pltpu.SemaphoreType.DMA,
      ],
  )
  def k(xa_hbm, xb_hbm, xc_hbm, e_hbm, z128_hbm, z16_hbm, ones_hbm,
        s_hbm, cnt_hbm, accs, cacc, edgeb, msrc, mkey, rows, ones_v,
        sem):
    x_hbms = (xa_hbm, xb_hbm, xc_hbm)
    sc = lax.axis_index("c")
    t = lax.axis_index("s")
    grow = ACC_ROWS + t
    pltpu.sync_copy(ones_hbm, ones_v)

    def do_pass(p, carry):
      chunk = NC * p + sc
      base_node = chunk * CHUNK
      for w in range(NFW):
        pltpu.sync_copy(z128_hbm, accs[w].at[pl.ds(t * ZROWS, ZROWS)])
      pltpu.sync_copy(z16_hbm, cacc.at[pl.ds(t * ZROWS, ZROWS)])
      plsc.subcore_barrier()

      def do_sub(g, carry2):
        eoff = (t * NSUB + g) * 3 * SUBC
        pltpu.sync_copy(e_hbm.at[pl.ds(eoff, 3 * SUBC)], edgeb)

        def do_vreg(v, m):
          s16 = edgeb[pl.ds(v * LANES, LANES)]
          d16 = edgeb[pl.ds(SUBC + v * LANES, LANES)]
          r16 = edgeb[pl.ds(2 * SUBC + v * LANES, LANES)]
          loc = d16 - base_node
          inr = (loc >= 0) & (loc < CHUNK)
          key = r16 * CHUNK + loc
          inr_i = inr.astype(jnp.int32)
          pos = m + plsc.cumsum(inr_i) - inr_i
          plsc.store_scatter(msrc, [pos // RBUF, pos % RBUF], s16,
                             mask=inr)
          plsc.store_scatter(mkey, [pos // RBUF, pos % RBUF], key, mask=inr)
          return m + jnp.sum(inr_i)

        m = lax.fori_loop(0, NVREG, do_vreg, 0)
        lanes = lax.iota(jnp.int32, LANES)
        pad_s = jnp.zeros((LANES,), jnp.int32) + t * 8
        pad_k = jnp.zeros((LANES,), jnp.int32) + grow
        full = jnp.ones((LANES,), jnp.bool_)
        for i in range(RBUF // LANES):
          ppos = m + i * LANES + lanes
          plsc.store_scatter(msrc, [ppos // RBUF, ppos % RBUF], pad_s,
                             mask=full)
          plsc.store_scatter(mkey, [ppos // RBUF, ppos % RBUF], pad_k,
                             mask=full)
        nb = (m + RBUF - 1) // RBUF

        def do_batch(j, carry3):
          handles = [pltpu.async_copy(x_hbms[w].at[msrc.at[j]], rows[w],
                                      sem) for w in range(NFW)]
          pltpu.sync_copy(ones_v, cacc.at[mkey.at[j]], add=True)
          for h in handles:
            h.wait()
          for w in range(NFW):
            pltpu.sync_copy(rows[w], accs[w].at[mkey.at[j]], add=True)
          return carry3

        lax.fori_loop(0, nb, do_batch, 0)
        return carry2

      lax.fori_loop(0, NSUB, do_sub, 0)
      plsc.subcore_barrier()
      for w in range(NFW):
        pltpu.sync_copy(accs[w].at[pl.ds(t * WROWS, WROWS)],
                        s_hbm[w].at[chunk, pl.ds(t * WROWS, WROWS)])
      pltpu.sync_copy(cacc.at[pl.ds(t * WROWS, WROWS)],
                      cnt_hbm.at[chunk, pl.ds(t * WROWS, WROWS)])
      plsc.subcore_barrier()
      return carry

    lax.fori_loop(0, NPASS, do_pass, 0)

  return k(xws[0], xws[1], xws[2], edges_packed, z128, z16, ones16)


def _entity_select(table, idx):
  nw = NC * NS
  b_per_w = idx.shape[0] // nw
  mesh = plsc.VectorSubcoreMesh(
      core_axis_name="c", subcore_axis_name="s", num_cores=NC,
      num_subcores=NS)

  @functools.partial(
      pl.kernel, mesh=mesh,
      compiler_params=pltpu.CompilerParams(needs_layout_passes=False),
      out_type=jax.ShapeDtypeStruct((idx.shape[0], HID), jnp.float32),
      scratch_types=[
          pltpu.VMEM((b_per_w,), jnp.int32),
          pltpu.VMEM((b_per_w, HID), jnp.float32),
          pltpu.SemaphoreType.DMA,
      ],
  )
  def k(table_hbm, idx_hbm, out_hbm, idx_v, rows_v, sem):
    wid = lax.axis_index("s") * NC + lax.axis_index("c")
    base = wid * b_per_w
    pltpu.sync_copy(idx_hbm.at[pl.ds(base, b_per_w)], idx_v)
    pltpu.async_copy(table_hbm.at[idx_v], rows_v, sem).wait()
    pltpu.sync_copy(rows_v, out_hbm.at[pl.ds(base, b_per_w)])

  return k(table, idx)


def _dot(a, b):
  return jnp.dot(a, b, preferred_element_type=jnp.float32)


def _basis_combine(comp, bases_flat):
  def body(c_ref, b_ref, o_ref):
    o_ref[...] = _dot(c_ref[...], b_ref[...])

  return pl.pallas_call(
      body,
      out_shape=jax.ShapeDtypeStruct((NUM_REL, ENT_HID * ENT_HID),
                                     jnp.float32),
  )(comp, bases_flat)


NNB = 25
NBK = N_ENTITY // NNB


def _xw_transform(x, w):
  def body(x_ref, w_ref, o0_ref, o1_ref, o2_ref):
    xw = _dot(x_ref[...], w_ref[0])
    o0_ref[...] = xw[:, 0:FW]
    o1_ref[...] = xw[:, FW:2 * FW]
    o2_ref[...] = xw[:, 2 * FW:3 * FW]

  outs = pl.pallas_call(
      body,
      grid=(NUM_REL, NNB),
      in_specs=[
          pl.BlockSpec((NBK, ENT_HID), lambda r, i: (i, 0)),
          pl.BlockSpec((1, ENT_HID, ENT_HID), lambda r, i: (r, 0, 0)),
      ],
      out_specs=[
          pl.BlockSpec((NBK, FW), lambda r, i: (r * NNB + i, 0))
          for _ in range(NFW)
      ],
      out_shape=[
          jax.ShapeDtypeStruct((NUM_REL * N_ENTITY, FW), jnp.float32)
          for _ in range(NFW)
      ],
  )(x, w)
  return outs


def _rgcn_block(x_pad, s, cnt, root, biases):
  rgcn_b, w1, b1, w2, b2, pw, pb = biases

  def body(x_ref, s0_ref, s1_ref, s2_ref, c_ref, rt_ref, rb_ref, w1_ref,
           b1_ref, w2_ref, b2_ref, pw_ref, pb_ref, o_ref):
    x = x_ref[...]
    cntc = jnp.clip(c_ref[0, :, 0:1], 1.0, None)
    t_all = jnp.concatenate([s0_ref[0], s1_ref[0], s2_ref[0]],
                            axis=1) / cntc
    h = _dot(x, rt_ref[0]) + rb_ref[...] + x
    for r in range(NUM_REL):
      h = h + _dot(t_all[r * CHUNK:(r + 1) * CHUNK], rt_ref[r + 1])
    e = jnp.maximum(_dot(h, w1_ref[...]) + b1_ref[...], 0.0)
    e = _dot(e, w2_ref[...]) + b2_ref[...] + h
    o_ref[...] = _dot(e, pw_ref[...]) + pb_ref[...]

  nchunks = NCHUNK
  return pl.pallas_call(
      body,
      grid=(nchunks,),
      in_specs=[
          pl.BlockSpec((CHUNK, ENT_HID), lambda i: (i, 0)),
          pl.BlockSpec((1, ACC_ROWS, FW), lambda i: (i, 0, 0)),
          pl.BlockSpec((1, ACC_ROWS, FW), lambda i: (i, 0, 0)),
          pl.BlockSpec((1, ACC_ROWS, FW), lambda i: (i, 0, 0)),
          pl.BlockSpec((1, ACC_ROWS, 16), lambda i: (i, 0, 0)),
          pl.BlockSpec((NUM_REL + 1, ENT_HID, ENT_HID),
                       lambda i: (0, 0, 0)),
          pl.BlockSpec((1, ENT_HID), lambda i: (0, 0)),
          pl.BlockSpec((ENT_HID, ENT_HID // 2), lambda i: (0, 0)),
          pl.BlockSpec((1, ENT_HID // 2), lambda i: (0, 0)),
          pl.BlockSpec((ENT_HID // 2, ENT_HID), lambda i: (0, 0)),
          pl.BlockSpec((1, ENT_HID), lambda i: (0, 0)),
          pl.BlockSpec((ENT_HID, HID), lambda i: (0, 0)),
          pl.BlockSpec((1, HID), lambda i: (0, 0)),
      ],
      out_specs=pl.BlockSpec((CHUNK, HID), lambda i: (i, 0)),
      out_shape=jax.ShapeDtypeStruct((nchunks * CHUNK, HID), jnp.float32),
  )(x_pad[:nchunks * CHUNK], s[0], s[1], s[2], cnt, root, rgcn_b, w1, b1,
    w2, b2, pw, pb)


def _token_proj(tok_flat, w1, b1, w2, b2, pw, pb):
  def body(t_ref, w1_ref, b1_ref, w2_ref, b2_ref, pw_ref, pb_ref, o_ref):
    t = t_ref[...]
    h = jnp.maximum(_dot(t, w1_ref[...]) + b1_ref[...], 0.0)
    h = _dot(h, w2_ref[...]) + b2_ref[...] + t
    o_ref[...] = _dot(h, pw_ref[...]) + pb_ref[...]

  n = tok_flat.shape[0]
  blk = 256
  return pl.pallas_call(
      body,
      grid=(n // blk,),
      in_specs=[
          pl.BlockSpec((blk, TOK_HID), lambda i: (i, 0)),
          pl.BlockSpec((TOK_HID, TOK_HID // 2), lambda i: (0, 0)),
          pl.BlockSpec((1, TOK_HID // 2), lambda i: (0, 0)),
          pl.BlockSpec((TOK_HID // 2, TOK_HID), lambda i: (0, 0)),
          pl.BlockSpec((1, TOK_HID), lambda i: (0, 0)),
          pl.BlockSpec((TOK_HID, HID), lambda i: (0, 0)),
          pl.BlockSpec((1, HID), lambda i: (0, 0)),
      ],
      out_specs=pl.BlockSpec((blk, HID), lambda i: (i, 0)),
      out_shape=jax.ShapeDtypeStruct((n, HID), jnp.float32),
  )(tok_flat, w1, b1, w2, b2, pw, pb)


def _cross_prompt(tok3, ent_sel, cross_w, w1, b1, w2, b2):
  def body(t_ref, e_ref, cw_ref, w1_ref, b1_ref, w2_ref, b2_ref, o_ref):
    t = t_ref[0]
    e = e_ref[0]
    q = _dot(t, cw_ref[...])
    scores = lax.dot_general(q, e, (((1,), (1,)), ((), ())),
                             preferred_element_type=jnp.float32) / HID
    mx = jnp.max(scores, axis=0, keepdims=True)
    ex = jnp.exp(scores - mx)
    tw = ex / jnp.sum(ex, axis=0, keepdims=True)
    p = lax.dot_general(tw, t, (((0,), (0,)), ((), ())),
                        preferred_element_type=jnp.float32) + e
    h = jnp.maximum(_dot(p, w1_ref[...]) + b1_ref[...], 0.0)
    o_ref[0] = _dot(h, w2_ref[...]) + b2_ref[...] + p

  return pl.pallas_call(
      body,
      grid=(B,),
      in_specs=[
          pl.BlockSpec((1, TOK_LEN, HID), lambda i: (i, 0, 0)),
          pl.BlockSpec((1, ENT_LEN, HID), lambda i: (i, 0, 0)),
          pl.BlockSpec((HID, HID), lambda i: (0, 0)),
          pl.BlockSpec((HID, HID // 2), lambda i: (0, 0)),
          pl.BlockSpec((1, HID // 2), lambda i: (0, 0)),
          pl.BlockSpec((HID // 2, HID), lambda i: (0, 0)),
          pl.BlockSpec((1, HID), lambda i: (0, 0)),
      ],
      out_specs=pl.BlockSpec((1, ENT_LEN, HID), lambda i: (i, 0, 0)),
      out_shape=jax.ShapeDtypeStruct((B, ENT_LEN, HID), jnp.float32),
  )(tok3, ent_sel, cross_w, w1, b1, w2, b2)


def _prompt_proj(p2, pw, pb):
  nout = N_LAYER * N_BLOCK * HID
  blk = 2048

  def body(p_ref, w_ref, b_ref, o_ref):
    o_ref[...] = _dot(p_ref[...], w_ref[...]) + b_ref[...]

  return pl.pallas_call(
      body,
      grid=(nout // blk,),
      in_specs=[
          pl.BlockSpec((B * ENT_LEN, HID), lambda j: (0, 0)),
          pl.BlockSpec((HID, blk), lambda j: (0, j)),
          pl.BlockSpec((1, blk), lambda j: (0, j)),
      ],
      out_specs=pl.BlockSpec((B * ENT_LEN, blk), lambda j: (0, j)),
      out_shape=jax.ShapeDtypeStruct((B * ENT_LEN, nout), jnp.float32),
  )(p2, pw, pb)


def kernel(entity_ids, token_embeds, output_entity, edge_index, edge_type,
           params):
  p = params
  x = p['node_embeds'].astype(jnp.float32)
  src = edge_index[0].astype(jnp.int32)
  dst = edge_index[1].astype(jnp.int32)
  rel = edge_type.astype(jnp.int32)

  w_flat = _basis_combine(p['rgcn_comp'],
                          p['rgcn_bases'].reshape(NUM_BASES,
                                                  ENT_HID * ENT_HID))
  w = w_flat.reshape(NUM_REL, ENT_HID, ENT_HID)
  ww = jnp.concatenate([p['rgcn_root'][None], w], axis=0)

  edges_packed = jnp.stack(
      [src.reshape(NS, NSUB, SUBC), dst.reshape(NS, NSUB, SUBC),
       rel.reshape(NS, NSUB, SUBC)], axis=2).reshape(-1)
  xsplit = [x[:, i * FW:(i + 1) * FW] for i in range(NFW)]
  s, cnt = _seg_accumulate(xsplit, edges_packed)

  x_pad = jnp.concatenate(
      [x, jnp.zeros((N_PAD - N_ENTITY, ENT_HID), jnp.float32)], axis=0)
  biases = (p['rgcn_bias'][None], p['ep1w1'], p['ep1b1'][None],
            p['ep1w2'], p['ep1b2'][None], p['ep2w'], p['ep2b'][None])
  ent2 = _rgcn_block(x_pad, s, cnt, ww, biases)

  tok_flat = token_embeds.reshape(B * TOK_LEN, TOK_HID)
  tok3 = _token_proj(tok_flat, p['tp1w1'], p['tp1b1'][None], p['tp1w2'],
                     p['tp1b2'][None], p['tp2w'], p['tp2b'][None])
  tok3 = tok3.reshape(B, TOK_LEN, HID)

  ent_sel = _entity_select(ent2, entity_ids.reshape(-1).astype(jnp.int32))
  ent_sel = ent_sel.reshape(B, ENT_LEN, HID)

  p2 = _cross_prompt(tok3, ent_sel, p['cross_w'], p['pp1w1'],
                     p['pp1b1'][None], p['pp1w2'], p['pp1b2'][None])

  out = _prompt_proj(p2.reshape(B * ENT_LEN, HID), p['pp2w'],
                     p['pp2b'][None])

  prompt = out.reshape(B, ENT_LEN, N_LAYER, N_BLOCK, N_HEAD, HEAD_DIM)
  return jnp.transpose(prompt, (2, 3, 0, 4, 1, 5))

# --- scband reference (transcript-rebuilt; emitter-appended) ---
"""Pipeline reference for scband-kgprompt-1065151889559 (READ-ONLY COPY).

The authoritative reference and input builder live on the scoring server;
editing this copy changes nothing except your own understanding.
"""

import jax, jax.numpy as jnp
import numpy as np

N_ENTITY = 10000
N_EDGES = 160000
NUM_REL = 12
NUM_BASES = 8
HID = 768
ENT_HID = HID // 2
TOK_HID = 768
N_HEAD = 12
HEAD_DIM = HID // N_HEAD
N_LAYER = 12
N_BLOCK = 2
B = 16
ENT_LEN = 32
TOK_LEN = 128


def _lin(key, fan_in, fan_out):
    k1, _ = jax.random.split(key)
    w = jax.random.normal(k1, (fan_in, fan_out), jnp.float32) * (1.0 / np.sqrt(fan_in))
    b = jnp.zeros((fan_out,), jnp.float32)
    return w, b


def setup_inputs(seed: int = 0) -> dict:
    key = jax.random.key(seed)
    ks = jax.random.split(key, 20)
    entity_ids = jax.random.randint(ks[0], (B, ENT_LEN), 0, N_ENTITY)
    token_embeds = jax.random.normal(ks[1], (B, TOK_LEN, TOK_HID), dtype=jnp.float32)
    edge_index = jax.random.randint(ks[2], (2, N_EDGES), 0, N_ENTITY)
    edge_type = jax.random.randint(ks[3], (N_EDGES,), 0, NUM_REL)
    stdv = float(np.sqrt(6.0 / (N_ENTITY + ENT_HID)))
    params = {}
    params['node_embeds'] = jax.random.uniform(ks[4], (N_ENTITY, ENT_HID), jnp.float32, -stdv, stdv)
    params['rgcn_bases'] = jax.random.normal(ks[5], (NUM_BASES, ENT_HID, ENT_HID), jnp.float32) * 0.02
    params['rgcn_comp'] = jax.random.normal(ks[6], (NUM_REL, NUM_BASES), jnp.float32) * 0.1
    params['rgcn_root'], params['rgcn_bias'] = _lin(ks[7], ENT_HID, ENT_HID)
    params['ep1w1'], params['ep1b1'] = _lin(ks[8], ENT_HID, ENT_HID // 2)
    params['ep1w2'], params['ep1b2'] = _lin(ks[9], ENT_HID // 2, ENT_HID)
    params['ep2w'], params['ep2b'] = _lin(ks[10], ENT_HID, HID)
    params['tp1w1'], params['tp1b1'] = _lin(ks[11], TOK_HID, TOK_HID // 2)
    params['tp1w2'], params['tp1b2'] = _lin(ks[12], TOK_HID // 2, TOK_HID)
    params['tp2w'], params['tp2b'] = _lin(ks[13], TOK_HID, HID)
    params['cross_w'], _ = _lin(ks[14], HID, HID)
    params['pp1w1'], params['pp1b1'] = _lin(ks[15], HID, HID // 2)
    params['pp1w2'], params['pp1b2'] = _lin(ks[16], HID // 2, HID)
    params['pp2w'], params['pp2b'] = _lin(ks[17], HID, N_LAYER * N_BLOCK * HID)
    return {'entity_ids': entity_ids, 'token_embeds': token_embeds,
            'output_entity': True, 'edge_index': edge_index,
            'edge_type': edge_type, 'params': params}


def _mlp2(x, w1, b1, w2, b2):
    return jax.nn.relu(x @ w1 + b1) @ w2 + b2


def _rgcn(x, edge_index, edge_type, p):
    # PyG RGCNConv with basis decomposition, mean aggregation per relation + root
    W = jnp.einsum('rb,bio->rio', p['rgcn_comp'], p['rgcn_bases'])
    src = edge_index[0]
    dst = edge_index[1]
    n = x.shape[0]
    out = x @ p['rgcn_root'] + p['rgcn_bias']
    for r in range(NUM_REL):
        mask = (edge_type == r).astype(x.dtype)
        msg = (x @ W[r])[src] * mask[:, None]
        s = jax.ops.segment_sum(msg, dst, num_segments=n)
        cnt = jax.ops.segment_sum(mask, dst, num_segments=n)
        out = out + s / jnp.clip(cnt, 1.0, None)[:, None]
    return out


def _forward(entity_ids, token_embeds, edge_index, edge_type, p):
    node = p['node_embeds']
    ent = _rgcn(node, edge_index, edge_type, p) + node
    ent = _mlp2(ent, p['ep1w1'], p['ep1b1'], p['ep1w2'], p['ep1b2']) + ent
    ent = ent @ p['ep2w'] + p['ep2b']
    entity_embeds = jnp.take(ent, entity_ids, axis=0)  # [B, L, HID]
    tok = _mlp2(token_embeds, p['tp1w1'], p['tp1b1'], p['tp1w2'], p['tp1b2']) + token_embeds
    tok = tok @ p['tp2w'] + p['tp2b']  # [B, T, HID]
    attn = (tok @ p['cross_w']) @ jnp.swapaxes(entity_embeds, 1, 2)  # [B, T, L]
    attn = attn / HID
    token_weights = jnp.swapaxes(jax.nn.softmax(attn, axis=1), 1, 2)  # [B, L, T]
    prompt = token_weights @ tok + entity_embeds  # [B, L, HID]
    prompt = _mlp2(prompt, p['pp1w1'], p['pp1b1'], p['pp1w2'], p['pp1b2']) + prompt
    prompt = prompt @ p['pp2w'] + p['pp2b']  # [B, L, N_LAYER*N_BLOCK*HID]
    prompt = prompt.reshape(B, ENT_LEN, N_LAYER, N_BLOCK, N_HEAD, HEAD_DIM)
    prompt = jnp.transpose(prompt, (2, 3, 0, 4, 1, 5))
    return prompt


def reference(entity_ids, token_embeds, output_entity, edge_index, edge_type, params):
    out = _forward(entity_ids, token_embeds, edge_index, edge_type, params)
    return jnp.where(output_entity, out, out)

if __name__ == "__main__":
    import jax
    _d = setup_inputs()
    print(jax.jit(kernel)(*tuple(_d.values())))

</pallas_src>

<mosaic_0001>
#map = affine_map<(d0, d1) -> (0, 0)>
#map1 = affine_map<(d0, d1) -> (0)>
module attributes {stable_mosaic.version = 14 : i64} {
  func.func @k(%arg0: i32, %arg1: i32, %arg2: memref<10240x768xf32, #tpu.memory_space<hbm>>, %arg3: memref<512xi32, #tpu.memory_space<hbm>>, %arg4: memref<512x768xf32, #tpu.memory_space<hbm>>, %arg5: memref<16xi32, #tpu.memory_space<vmem>>, %arg6: memref<16x768xf32, #tpu.memory_space<vmem>>, %arg7: memref<!tpu.dma_semaphore, #tpu.memory_space<semaphore_mem>>) attributes {dimension_semantics = [#tpu.dimension_semantics<core_parallel>, #tpu.dimension_semantics<subcore_parallel>], iteration_bounds = array<i64: 2, 16>, scalar_prefetch = 0 : i64, scratch_operands = 3 : i64, tpu.core_type = #tpu.core_type<sc_vector_subcore>, window_params = [{transform_indices = #map}, {transform_indices = #map1}, {transform_indices = #map}]} {
    %mul3A = arith.constant 2 : i32
    %mul3A_0 = arith.muli %arg1, %mul3A : i32
    %add3A = arith.addi %mul3A_0, %arg0 : i32
    %mul3A_1 = arith.constant 16 : i32
    %mul3A_2 = arith.muli %add3A, %mul3A_1 : i32
    "tpu.region"() ({
      %run_scoped3A = tpu.sem_alloc : memref<!tpu.dma_semaphore, #tpu.memory_space<semaphore_mem>>
      %dma_start3A_7 = tpu.memref_slice %arg3[%mul3A_2] : memref<512xi32, #tpu.memory_space<hbm>> -> memref<16xi32, #tpu.memory_space<hbm>>
      %dma_start3A_8 = tpu.memref_slice %arg3[%mul3A_2] : memref<512xi32, #tpu.memory_space<hbm>> -> memref<16xi32, #tpu.memory_space<hbm>>
      tpu.enqueue_dma source(%dma_start3A_8 : memref<16xi32, #tpu.memory_space<hbm>>) target(%arg5 : memref<16xi32, #tpu.memory_space<vmem>>) target_semaphore(%run_scoped3A : memref<!tpu.dma_semaphore, #tpu.memory_space<semaphore_mem>>)
      %dma_wait3A_9 = tpu.memref_slice %arg3[%mul3A_2] : memref<512xi32, #tpu.memory_space<hbm>> -> memref<16xi32, #tpu.memory_space<hbm>>
      %dma_wait3A_10 = tpu.memref_slice %arg3[%mul3A_2] : memref<512xi32, #tpu.memory_space<hbm>> -> memref<16xi32, #tpu.memory_space<hbm>>
      tpu.wait_dma2 semaphore(%run_scoped3A : memref<!tpu.dma_semaphore, #tpu.memory_space<semaphore_mem>>) src(%dma_wait3A_10 : memref<16xi32, #tpu.memory_space<hbm>>) dst(%arg5 : memref<16xi32, #tpu.memory_space<vmem>>)
      tpu.yield
    }) : () -> ()
    %dma_start3A = arith.constant 0 : i32
    %dma_start3A_3 = arith.constant 0 : i32
    %dma_start3A_4 = tpu.memref_slice %arg2[%dma_start3A, %dma_start3A_3] : memref<10240x768xf32, #tpu.memory_space<hbm>> -> memref<10240x768xf32, #tpu.memory_space<hbm>>
    tpu.enqueue_indirect_dma source(%dma_start3A_4 : memref<10240x768xf32, #tpu.memory_space<hbm>>) target(%arg6 : memref<16x768xf32, #tpu.memory_space<vmem>>) offsets(%arg5 : memref<16xi32, #tpu.memory_space<vmem>>) semaphore(%arg7 : memref<!tpu.dma_semaphore, #tpu.memory_space<semaphore_mem>>)
    %dma_wait3A = arith.constant 0 : i32
    %dma_wait3A_5 = arith.constant 0 : i32
    %dma_wait3A_6 = tpu.memref_slice %arg2[%dma_wait3A, %dma_wait3A_5] : memref<10240x768xf32, #tpu.memory_space<hbm>> -> memref<10240x768xf32, #tpu.memory_space<hbm>>
    tpu.wait_indirect_dma semaphore(%arg7 : memref<!tpu.dma_semaphore, #tpu.memory_space<semaphore_mem>>) src(%dma_wait3A_6 : memref<10240x768xf32, #tpu.memory_space<hbm>>) dst(%arg6 : memref<16x768xf32, #tpu.memory_space<vmem>>)
    "tpu.region"() ({
      %run_scoped3A = tpu.sem_alloc : memref<!tpu.dma_semaphore, #tpu.memory_space<semaphore_mem>>
      %dma_start3A_7 = arith.constant 0 : i32
      %dma_start3A_8 = tpu.memref_slice %arg4[%mul3A_2, %dma_start3A_7] : memref<512x768xf32, #tpu.memory_space<hbm>> -> memref<16x768xf32, #tpu.memory_space<hbm>>
      %dma_start3A_9 = arith.constant 0 : i32
      %dma_start3A_10 = tpu.memref_slice %arg4[%mul3A_2, %dma_start3A_9] : memref<512x768xf32, #tpu.memory_space<hbm>> -> memref<16x768xf32, #tpu.memory_space<hbm>>
      tpu.enqueue_dma source(%arg6 : memref<16x768xf32, #tpu.memory_space<vmem>>) target(%dma_start3A_10 : memref<16x768xf32, #tpu.memory_space<hbm>>) target_semaphore(%run_scoped3A : memref<!tpu.dma_semaphore, #tpu.memory_space<semaphore_mem>>)
      %dma_wait3A_11 = arith.constant 0 : i32
      %dma_wait3A_12 = tpu.memref_slice %arg4[%mul3A_2, %dma_wait3A_11] : memref<512x768xf32, #tpu.memory_space<hbm>> -> memref<16x768xf32, #tpu.memory_space<hbm>>
      %dma_wait3A_13 = arith.constant 0 : i32
      %dma_wait3A_14 = tpu.memref_slice %arg4[%mul3A_2, %dma_wait3A_13] : memref<512x768xf32, #tpu.memory_space<hbm>> -> memref<16x768xf32, #tpu.memory_space<hbm>>
      tpu.wait_dma2 semaphore(%run_scoped3A : memref<!tpu.dma_semaphore, #tpu.memory_space<semaphore_mem>>) src(%arg6 : memref<16x768xf32, #tpu.memory_space<vmem>>) dst(%dma_wait3A_14 : memref<16x768xf32, #tpu.memory_space<hbm>>)
      tpu.yield
    }) : () -> ()
    return
  }
}

#map = affine_map<(d0, d1) -> (0, 0)>
#map1 = affine_map<(d0, d1) -> (0)>
#map2 = affine_map<(d0, d1) -> (0, 0, 0)>
module attributes {stable_mosaic.version = 14 : i64} {
  func.func @k(%arg0: i32, %arg1: i32, %arg2: memref<10000x128xf32, #tpu.memory_space<hbm>>, %arg3: memref<10000x128xf32, #tpu.memory_space<hbm>>, %arg4: memref<10000x128xf32, #tpu.memory_space<hbm>>, %arg5: memref<480000xi32, #tpu.memory_space<hbm>>, %arg6: memref<200x128xf32, #tpu.memory_space<hbm>>, %arg7: memref<200x16xf32, #tpu.memory_space<hbm>>, %arg8: memref<32x16xf32, #tpu.memory_space<hbm>>, %arg9: memref<40x3072x128xf32, #tpu.memory_space<hbm>>, %arg10: memref<40x3072x128xf32, #tpu.memory_space<hbm>>, %arg11: memref<40x3072x128xf32, #tpu.memory_space<hbm>>, %arg12: memref<40x3072x16xf32, #tpu.memory_space<hbm>>, %arg13: memref<3200x128xf32, #tpu.memory_space<vmem_shared>>, %arg14: memref<3200x128xf32, #tpu.memory_space<vmem_shared>>, %arg15: memref<3200x128xf32, #tpu.memory_space<vmem_shared>>, %arg16: memref<3200x16xf32, #tpu.memory_space<vmem_shared>>, %arg17: memref<6000xi32, #tpu.memory_space<vmem>>, %arg18: memref<64x32xi32, #tpu.memory_space<vmem>>, %arg19: memref<64x32xi32, #tpu.memory_space<vmem>>, %arg20: memref<32x128xf32, #tpu.memory_space<vmem>>, %arg21: memref<32x128xf32, #tpu.memory_space<vmem>>, %arg22: memref<32x128xf32, #tpu.memory_space<vmem>>, %arg23: memref<32x16xf32, #tpu.memory_space<vmem>>, %arg24: memref<!tpu.dma_semaphore, #tpu.memory_space<semaphore_mem>>) attributes {dimension_semantics = [#tpu.dimension_semantics<core_parallel>, #tpu.dimension_semantics<subcore_parallel>], iteration_bounds = array<i64: 2, 16>, scalar_prefetch = 0 : i64, scratch_operands = 12 : i64, tpu.core_type = #tpu.core_type<sc_vector_subcore>, window_params = [{transform_indices = #map}, {transform_indices = #map}, {transform_indices = #map}, {transform_indices = #map1}, {transform_indices = #map}, {transform_indices = #map}, {transform_indices = #map}, {transform_indices = #map2}, {transform_indices = #map2}, {transform_indices = #map2}, {transform_indices = #map2}]} {
    %add3A = arith.constant 3072 : i32
    %add3A_0 = arith.addi %add3A, %arg1 : i32
    "tpu.region"() ({
      %run_scoped3A = tpu.sem_alloc : memref<!tpu.dma_semaphore, #tpu.memory_space<semaphore_mem>>
      tpu.enqueue_dma source(%arg8 : memref<32x16xf32, #tpu.memory_space<hbm>>) target(%arg23 : memref<32x16xf32, #tpu.memory_space<vmem>>) target_semaphore(%run_scoped3A : memref<!tpu.dma_semaphore, #tpu.memory_space<semaphore_mem>>)
      tpu.wait_dma2 semaphore(%run_scoped3A : memref<!tpu.dma_semaphore, #tpu.memory_space<semaphore_mem>>) src(%arg8 : memref<32x16xf32, #tpu.memory_space<hbm>>) dst(%arg23 : memref<32x16xf32, #tpu.memory_space<vmem>>)
      tpu.yield
    }) : () -> ()
    %scan3A = arith.constant 0 : i32
    %scan3A_1 = arith.constant 0 : i32
    %scan3A_2 = arith.constant 20 : i32
    %scan3A_3 = arith.addi %scan3A_1, %scan3A_2 : i32
    %scan3A_4 = arith.constant 1 : i32
    scf.for %scan3A_6 = %scan3A_1 to %scan3A_3 step %scan3A_4  : i32 {
      %mul3A = arith.constant 2 : i32
      %mul3A_7 = arith.muli %mul3A, %scan3A_6 : i32
      %add3A_8 = arith.addi %mul3A_7, %arg0 : i32
      %mul3A_9 = arith.constant 256 : i32
      %mul3A_10 = arith.muli %add3A_8, %mul3A_9 : i32
      %mul3A_11 = arith.constant 200 : i32
      %mul3A_12 = arith.muli %arg1, %mul3A_11 : i32
      "tpu.region"() ({
        %run_scoped3A = tpu.sem_alloc : memref<!tpu.dma_semaphore, #tpu.memory_space<semaphore_mem>>
        %dma_start3A = arith.constant 0 : i32
        %dma_start3A_43 = tpu.memref_slice %arg13[%mul3A_12, %dma_start3A] : memref<3200x128xf32, #tpu.memory_space<vmem_shared>> -> memref<200x128xf32, #tpu.memory_space<vmem_shared>>
        tpu.enqueue_dma source(%arg6 : memref<200x128xf32, #tpu.memory_space<hbm>>) target(%dma_start3A_43 : memref<200x128xf32, #tpu.memory_space<vmem_shared>>) target_semaphore(%run_scoped3A : memref<!tpu.dma_semaphore, #tpu.memory_space<semaphore_mem>>)
        %dma_wait3A = arith.constant 0 : i32
        %dma_wait3A_44 = tpu.memref_slice %arg13[%mul3A_12, %dma_wait3A] : memref<3200x128xf32, #tpu.memory_space<vmem_shared>> -> memref<200x128xf32, #tpu.memory_space<vmem_shared>>
        tpu.wait_dma2 semaphore(%run_scoped3A : memref<!tpu.dma_semaphore, #tpu.memory_space<semaphore_mem>>) src(%arg6 : memref<200x128xf32, #tpu.memory_space<hbm>>) dst(%dma_wait3A_44 : memref<200x128xf32, #tpu.memory_space<vmem_shared>>)
        tpu.yield
      }) : () -> ()
      %mul3A_13 = arith.constant 200 : i32
      %mul3A_14 = arith.muli %arg1, %mul3A_13 : i32
      "tpu.region"() ({
        %run_scoped3A = tpu.sem_alloc : memref<!tpu.dma_semaphore, #tpu.memory_space<semaphore_mem>>
        %dma_start3A = arith.constant 0 : i32
        %dma_start3A_43 = tpu.memref_slice %arg14[%mul3A_14, %dma_start3A] : memref<3200x128xf32, #tpu.memory_space<vmem_shared>> -> memref<200x128xf32, #tpu.memory_space<vmem_shared>>
        tpu.enqueue_dma source(%arg6 : memref<200x128xf32, #tpu.memory_space<hbm>>) target(%dma_start3A_43 : memref<200x128xf32, #tpu.memory_space<vmem_shared>>) target_semaphore(%run_scoped3A : memref<!tpu.dma_semaphore, #tpu.memory_space<semaphore_mem>>)
        %dma_wait3A = arith.constant 0 : i32
        %dma_wait3A_44 = tpu.memref_slice %arg14[%mul3A_14, %dma_wait3A] : memref<3200x128xf32, #tpu.memory_space<vmem_shared>> -> memref<200x128xf32, #tpu.memory_space<vmem_shared>>
        tpu.wait_dma2 semaphore(%run_scoped3A : memref<!tpu.dma_semaphore, #tpu.memory_space<semaphore_mem>>) src(%arg6 : memref<200x128xf32, #tpu.memory_space<hbm>>) dst(%dma_wait3A_44 : memref<200x128xf32, #tpu.memory_space<vmem_shared>>)
        tpu.yield
      }) : () -> ()
      %mul3A_15 = arith.constant 200 : i32
      %mul3A_16 = arith.muli %arg1, %mul3A_15 : i32
      "tpu.region"() ({
        %run_scoped3A = tpu.sem_alloc : memref<!tpu.dma_semaphore, #tpu.memory_space<semaphore_mem>>
        %dma_start3A = arith.constant 0 : i32
        %dma_start3A_43 = tpu.memref_slice %arg15[%mul3A_16, %dma_start3A] : memref<3200x128xf32, #tpu.memory_space<vmem_shared>> -> memref<200x128xf32, #tpu.memory_space<vmem_shared>>
        tpu.enqueue_dma source(%arg6 : memref<200x128xf32, #tpu.memory_space<hbm>>) target(%dma_start3A_43 : memref<200x128xf32, #tpu.memory_space<vmem_shared>>) target_semaphore(%run_scoped3A : memref<!tpu.dma_semaphore, #tpu.memory_space<semaphore_mem>>)
        %dma_wait3A = arith.constant 0 : i32
        %dma_wait3A_44 = tpu.memref_slice %arg15[%mul3A_16, %dma_wait3A] : memref<3200x128xf32, #tpu.memory_space<vmem_shared>> -> memref<200x128xf32, #tpu.memory_space<vmem_shared>>
        tpu.wait_dma2 semaphore(%run_scoped3A : memref<!tpu.dma_semaphore, #tpu.memory_space<semaphore_mem>>) src(%arg6 : memref<200x128xf32, #tpu.memory_space<hbm>>) dst(%dma_wait3A_44 : memref<200x128xf32, #tpu.memory_space<vmem_shared>>)
        tpu.yield
      }) : () -> ()
      %mul3A_17 = arith.constant 200 : i32
      %mul3A_18 = arith.muli %arg1, %mul3A_17 : i32
      "tpu.region"() ({
        %run_scoped3A = tpu.sem_alloc : memref<!tpu.dma_semaphore, #tpu.memory_space<semaphore_mem>>
        %dma_start3A = arith.constant 0 : i32
        %dma_start3A_43 = tpu.memref_slice %arg16[%mul3A_18, %dma_start3A] : memref<3200x16xf32, #tpu.memory_space<vmem_shared>> -> memref<200x16xf32, #tpu.memory_space<vmem_shared>>
        tpu.enqueue_dma source(%arg7 : memref<200x16xf32, #tpu.memory_space<hbm>>) target(%dma_start3A_43 : memref<200x16xf32, #tpu.memory_space<vmem_shared>>) target_semaphore(%run_scoped3A : memref<!tpu.dma_semaphore, #tpu.memory_space<semaphore_mem>>)
        %dma_wait3A = arith.constant 0 : i32
        %dma_wait3A_44 = tpu.memref_slice %arg16[%mul3A_18, %dma_wait3A] : memref<3200x16xf32, #tpu.memory_space<vmem_shared>> -> memref<200x16xf32, #tpu.memory_space<vmem_shared>>
        tpu.wait_dma2 semaphore(%run_scoped3A : memref<!tpu.dma_semaphore, #tpu.memory_space<semaphore_mem>>) src(%arg7 : memref<200x16xf32, #tpu.memory_space<hbm>>) dst(%dma_wait3A_44 : memref<200x16xf32, #tpu.memory_space<vmem_shared>>)
        tpu.yield
      }) : () -> ()
      %barrier3A = arith.constant 0 : index
      tpu.barrier barrier_id(%barrier3A)
      %scan3A_19 = arith.constant 0 : i32
      %scan3A_20 = arith.constant 0 : i32
      %scan3A_21 = arith.constant 5 : i32
      %scan3A_22 = arith.addi %scan3A_20, %scan3A_21 : i32
      %scan3A_23 = arith.constant 1 : i32
      scf.for %scan3A_43 = %scan3A_20 to %scan3A_22 step %scan3A_23  : i32 {
        %mul3A_44 = arith.constant 5 : i32
        %mul3A_45 = arith.muli %arg1, %mul3A_44 : i32
        %add3A_46 = arith.addi %mul3A_45, %scan3A_43 : i32
        %mul3A_47 = arith.constant 3 : i32
        %mul3A_48 = arith.muli %add3A_46, %mul3A_47 : i32
        %mul3A_49 = arith.constant 2000 : i32
        %mul3A_50 = arith.muli %mul3A_48, %mul3A_49 : i32
        "tpu.region"() ({
          %run_scoped3A = tpu.sem_alloc : memref<!tpu.dma_semaphore, #tpu.memory_space<semaphore_mem>>
          %dma_start3A = tpu.memref_slice %arg5[%mul3A_50] : memref<480000xi32, #tpu.memory_space<hbm>> -> memref<6000xi32, #tpu.memory_space<hbm>>
          %dma_start3A_316 = tpu.memref_slice %arg5[%mul3A_50] : memref<480000xi32, #tpu.memory_space<hbm>> -> memref<6000xi32, #tpu.memory_space<hbm>>
          tpu.enqueue_dma source(%dma_start3A_316 : memref<6000xi32, #tpu.memory_space<hbm>>) target(%arg17 : memref<6000xi32, #tpu.memory_space<vmem>>) target_semaphore(%run_scoped3A : memref<!tpu.dma_semaphore, #tpu.memory_space<semaphore_mem>>)
          %dma_wait3A = tpu.memref_slice %arg5[%mul3A_50] : memref<480000xi32, #tpu.memory_space<hbm>> -> memref<6000xi32, #tpu.memory_space<hbm>>
          %dma_wait3A_317 = tpu.memref_slice %arg5[%mul3A_50] : memref<480000xi32, #tpu.memory_space<hbm>> -> memref<6000xi32, #tpu.memory_space<hbm>>
          tpu.wait_dma2 semaphore(%run_scoped3A : memref<!tpu.dma_semaphore, #tpu.memory_space<semaphore_mem>>) src(%dma_wait3A_317 : memref<6000xi32, #tpu.memory_space<hbm>>) dst(%arg17 : memref<6000xi32, #tpu.memory_space<vmem>>)
          tpu.yield
        }) : () -> ()
        %scan3A_51 = arith.constant 0 : i32
        %scan3A_52 = arith.constant 0 : i32
        %scan3A_53 = arith.constant 125 : i32
        %scan3A_54 = arith.addi %scan3A_52, %scan3A_53 : i32
        %scan3A_55 = arith.constant 1 : i32
        %scan3A_56 = scf.for %scan3A_316 = %scan3A_52 to %scan3A_54 step %scan3A_55 iter_args(%scan3A_317 = %scan3A_51) -> (i32)  : i32 {
          %mul3A_318 = arith.constant 16 : i32
          %mul3A_319 = arith.muli %scan3A_316, %mul3A_318 : i32
          %get3A = arith.index_cast %mul3A_319 : i32 to index
          %get3A_320 = tpu.vector_load %arg17[%get3A] {strides = array<i32>} : memref<6000xi32, #tpu.memory_space<vmem>>, vector<16xi32>,
          %mul3A_321 = arith.constant 16 : i32
          %mul3A_322 = arith.muli %scan3A_316, %mul3A_321 : i32
          %add3A_323 = arith.constant 2000 : i32
          %add3A_324 = arith.addi %add3A_323, %mul3A_322 : i32
          %get3A_325 = arith.index_cast %add3A_324 : i32 to index
          %get3A_326 = tpu.vector_load %arg17[%get3A_325] {strides = array<i32>} : memref<6000xi32, #tpu.memory_space<vmem>>, vector<16xi32>,
          %mul3A_327 = arith.constant 16 : i32
          %mul3A_328 = arith.muli %scan3A_316, %mul3A_327 : i32
          %add3A_329 = arith.constant 4000 : i32
          %add3A_330 = arith.addi %add3A_329, %mul3A_328 : i32
          %get3A_331 = arith.index_cast %add3A_330 : i32 to index
          %get3A_332 = tpu.vector_load %arg17[%get3A_331] {strides = array<i32>} : memref<6000xi32, #tpu.memory_space<vmem>>, vector<16xi32>,
          %sub3A_333 = vector.broadcast %mul3A_10 : i32 to vector<16xi32>
          %sub3A_334 = arith.subi %get3A_326, %sub3A_333 : vector<16xi32>
          %ge3A = arith.constant 0 : i32
          %ge3A_335 = vector.broadcast %ge3A : i32 to vector<16xi32>
          %ge3A_336 = arith.cmpi sge, %sub3A_334, %ge3A_335 : vector<16xi32>
          %lt3A_337 = arith.constant 256 : i32
          %lt3A_338 = vector.broadcast %lt3A_337 : i32 to vector<16xi32>
          %lt3A_339 = arith.cmpi slt, %sub3A_334, %lt3A_338 : vector<16xi32>
          %and3A_340 = arith.andi %ge3A_336, %lt3A_339 : vector<16xi1>
          %mul3A_341 = arith.constant 256 : i32
          %mul3A_342 = vector.broadcast %mul3A_341 : i32 to vector<16xi32>
          %mul3A_343 = arith.muli %get3A_332, %mul3A_342 : vector<16xi32>
          %add3A_344 = arith.addi %mul3A_343, %sub3A_334 : vector<16xi32>
          %convert_element_type3A = arith.extui %and3A_340 : vector<16xi1> to vector<16xi32>
          %broadcast_in_dim3A_345 = arith.constant true
          %broadcast_in_dim3A_346 = vector.broadcast %broadcast_in_dim3A_345 : i1 to vector<16xi1>
          %masked_cumsum3A = tpu.scan <sum>, %convert_element_type3A masked %broadcast_in_dim3A_346 : vector<16xi32>, vector<16xi1> -> vector<16xi32>
          %add3A_347 = vector.broadcast %scan3A_317 : i32 to vector<16xi32>
          %add3A_348 = arith.addi %add3A_347, %masked_cumsum3A : vector<16xi32>
          %sub3A_349 = arith.subi %add3A_348, %convert_element_type3A : vector<16xi32>
          %jit3A_350 = arith.constant 32 : i32
          %div3A_351 = vector.broadcast %jit3A_350 : i32 to vector<16xi32>
          %div3A_352 = arith.divsi %sub3A_349, %div3A_351 : vector<16xi32>
          %sign3A_353 = arith.constant 0 : i32
          %sign3A_354 = vector.broadcast %sign3A_353 : i32 to vector<16xi32>
          %sign3A_355 = arith.cmpi sgt, %sub3A_349, %sign3A_354 : vector<16xi32>
          %sign3A_356 = arith.extui %sign3A_355 : vector<16xi1> to vector<16xi32>
          %sign3A_357 = arith.constant 0 : i32
          %sign3A_358 = vector.broadcast %sign3A_357 : i32 to vector<16xi32>
          %sign3A_359 = arith.cmpi slt, %sub3A_349, %sign3A_358 : vector<16xi32>
          %sign3A_360 = arith.extui %sign3A_359 : vector<16xi1> to vector<16xi32>
          %sign3A_361 = arith.subi %sign3A_356, %sign3A_360 : vector<16xi32>
          %sign3A_362 = arith.constant 0 : i32
          %sign3A_363 = arith.cmpi sgt, %jit3A_350, %sign3A_362 : i32
          %sign3A_364 = arith.extui %sign3A_363 : i1 to i32
          %sign3A_365 = arith.constant 0 : i32
          %sign3A_366 = arith.cmpi slt, %jit3A_350, %sign3A_365 : i32
          %sign3A_367 = arith.extui %sign3A_366 : i1 to i32
          %sign3A_368 = arith.subi %sign3A_364, %sign3A_367 : i32
          %ne3A_369 = vector.broadcast %sign3A_368 : i32 to vector<16xi32>
          %ne3A_370 = arith.cmpi ne, %sign3A_361, %ne3A_369 : vector<16xi32>
          %rem3A_371 = vector.broadcast %jit3A_350 : i32 to vector<16xi32>
          %rem3A_372 = arith.remsi %sub3A_349, %rem3A_371 : vector<16xi32>
          %ne3A_373 = arith.constant 0 : i32
          %ne3A_374 = vector.broadcast %ne3A_373 : i32 to vector<16xi32>
          %ne3A_375 = arith.cmpi ne, %rem3A_372, %ne3A_374 : vector<16xi32>
          %and3A_376 = arith.andi %ne3A_370, %ne3A_375 : vector<16xi1>
          %sub3A_377 = arith.constant 1 : i32
          %sub3A_378 = vector.broadcast %sub3A_377 : i32 to vector<16xi32>
          %sub3A_379 = arith.subi %div3A_352, %sub3A_378 : vector<16xi32>
          %select_n3A_380 = arith.select %and3A_376, %sub3A_379, %div3A_352 : vector<16xi1>, vector<16xi32>
          %jit3A_381 = arith.constant 32 : i32
          %eq3A_382 = arith.constant 0 : i32
          %eq3A_383 = arith.cmpi eq, %jit3A_381, %eq3A_382 : i32
          %jit3A_384 = arith.constant 1 : i32
          %select_n3A_385 = arith.select %eq3A_383, %jit3A_384, %jit3A_381 : i32
          %rem3A_386 = vector.broadcast %select_n3A_385 : i32 to vector<16xi32>
          %rem3A_387 = arith.remsi %sub3A_349, %rem3A_386 : vector<16xi32>
          %ne3A_388 = arith.constant 0 : i32
          %ne3A_389 = vector.broadcast %ne3A_388 : i32 to vector<16xi32>
          %ne3A_390 = arith.cmpi ne, %rem3A_387, %ne3A_389 : vector<16xi32>
          %lt3A_391 = arith.constant 0 : i32
          %lt3A_392 = vector.broadcast %lt3A_391 : i32 to vector<16xi32>
          %lt3A_393 = arith.cmpi slt, %rem3A_387, %lt3A_392 : vector<16xi32>
          %lt3A_394 = arith.constant 0 : i32
          %lt3A_395 = arith.cmpi slt, %select_n3A_385, %lt3A_394 : i32
          %ne3A_396 = vector.broadcast %lt3A_395 : i1 to vector<16xi1>
          %ne3A_397 = vector.broadcast %ne3A_396 : vector<16xi1> to vector<16xi1>
          %ne3A_398 = arith.xori %lt3A_393, %ne3A_397 : vector<16xi1>
          %and3A_399 = arith.andi %ne3A_398, %ne3A_390 : vector<16xi1>
          %add3A_400 = vector.broadcast %select_n3A_385 : i32 to vector<16xi32>
          %add3A_401 = arith.addi %rem3A_387, %add3A_400 : vector<16xi32>
          %select_n3A_402 = arith.select %and3A_399, %add3A_401, %rem3A_387 : vector<16xi1>, vector<16xi32>
          tpu.vector_store_idx %arg18[%select_n3A_380, %select_n3A_402], %get3A_320 masked %and3A_340 : memref<64x32xi32, #tpu.memory_space<vmem>>[vector<16xi32>, vector<16xi32>], vector<16xi32>, vector<16xi1>
          %jit3A_403 = arith.constant 32 : i32
          %div3A_404 = vector.broadcast %jit3A_403 : i32 to vector<16xi32>
          %div3A_405 = arith.divsi %sub3A_349, %div3A_404 : vector<16xi32>
          %sign3A_406 = arith.constant 0 : i32
          %sign3A_407 = vector.broadcast %sign3A_406 : i32 to vector<16xi32>
          %sign3A_408 = arith.cmpi sgt, %sub3A_349, %sign3A_407 : vector<16xi32>
          %sign3A_409 = arith.extui %sign3A_408 : vector<16xi1> to vector<16xi32>
          %sign3A_410 = arith.constant 0 : i32
          %sign3A_411 = vector.broadcast %sign3A_410 : i32 to vector<16xi32>
          %sign3A_412 = arith.cmpi slt, %sub3A_349, %sign3A_411 : vector<16xi32>
          %sign3A_413 = arith.extui %sign3A_412 : vector<16xi1> to vector<16xi32>
          %sign3A_414 = arith.subi %sign3A_409, %sign3A_413 : vector<16xi32>
          %sign3A_415 = arith.constant 0 : i32
          %sign3A_416 = arith.cmpi sgt, %jit3A_403, %sign3A_415 : i32
          %sign3A_417 = arith.extui %sign3A_416 : i1 to i32
          %sign3A_418 = arith.constant 0 : i32
          %sign3A_419 = arith.cmpi slt, %jit3A_403, %sign3A_418 : i32
          %sign3A_420 = arith.extui %sign3A_419 : i1 to i32
          %sign3A_421 = arith.subi %sign3A_417, %sign3A_420 : i32
          %ne3A_422 = vector.broadcast %sign3A_421 : i32 to vector<16xi32>
          %ne3A_423 = arith.cmpi ne, %sign3A_414, %ne3A_422 : vector<16xi32>
          %rem3A_424 = vector.broadcast %jit3A_403 : i32 to vector<16xi32>
          %rem3A_425 = arith.remsi %sub3A_349, %rem3A_424 : vector<16xi32>
          %ne3A_426 = arith.constant 0 : i32
          %ne3A_427 = vector.broadcast %ne3A_426 : i32 to vector<16xi32>
          %ne3A_428 = arith.cmpi ne, %rem3A_425, %ne3A_427 : vector<16xi32>
          %and3A_429 = arith.andi %ne3A_423, %ne3A_428 : vector<16xi1>
          %sub3A_430 = arith.constant 1 : i32
          %sub3A_431 = vector.broadcast %sub3A_430 : i32 to vector<16xi32>
          %sub3A_432 = arith.subi %div3A_405, %sub3A_431 : vector<16xi32>
          %select_n3A_433 = arith.select %and3A_429, %sub3A_432, %div3A_405 : vector<16xi1>, vector<16xi32>
          %jit3A_434 = arith.constant 32 : i32
          %eq3A_435 = arith.constant 0 : i32
          %eq3A_436 = arith.cmpi eq, %jit3A_434, %eq3A_435 : i32
          %jit3A_437 = arith.constant 1 : i32
          %select_n3A_438 = arith.select %eq3A_436, %jit3A_437, %jit3A_434 : i32
          %rem3A_439 = vector.broadcast %select_n3A_438 : i32 to vector<16xi32>
          %rem3A_440 = arith.remsi %sub3A_349, %rem3A_439 : vector<16xi32>
          %ne3A_441 = arith.constant 0 : i32
          %ne3A_442 = vector.broadcast %ne3A_441 : i32 to vector<16xi32>
          %ne3A_443 = arith.cmpi ne, %rem3A_440, %ne3A_442 : vector<16xi32>
          %lt3A_444 = arith.constant 0 : i32
          %lt3A_445 = vector.broadcast %lt3A_444 : i32 to vector<16xi32>
          %lt3A_446 = arith.cmpi slt, %rem3A_440, %lt3A_445 : vector<16xi32>
          %lt3A_447 = arith.constant 0 : i32
          %lt3A_448 = arith.cmpi slt, %select_n3A_438, %lt3A_447 : i32
          %ne3A_449 = vector.broadcast %lt3A_448 : i1 to vector<16xi1>
          %ne3A_450 = vector.broadcast %ne3A_449 : vector<16xi1> to vector<16xi1>
          %ne3A_451 = arith.xori %lt3A_446, %ne3A_450 : vector<16xi1>
          %and3A_452 = arith.andi %ne3A_451, %ne3A_443 : vector<16xi1>
          %add3A_453 = vector.broadcast %select_n3A_438 : i32 to vector<16xi32>
          %add3A_454 = arith.addi %rem3A_440, %add3A_453 : vector<16xi32>
          %select_n3A_455 = arith.select %and3A_452, %add3A_454, %rem3A_440 : vector<16xi1>, vector<16xi32>
          tpu.vector_store_idx %arg19[%select_n3A_433, %select_n3A_455], %add3A_344 masked %and3A_340 : memref<64x32xi32, #tpu.memory_space<vmem>>[vector<16xi32>, vector<16xi32>], vector<16xi32>, vector<16xi1>
          %reduce_sum3A = arith.constant true
          %reduce_sum3A_456 = vector.broadcast %reduce_sum3A : i1 to vector<16xi1>
          %reduce_sum3A_457 = tpu.scan <sum>, %convert_element_type3A masked %reduce_sum3A_456 : vector<16xi32>, vector<16xi1> -> vector<16xi32>
          %reduce_sum3A_458 = vector.extract %reduce_sum3A_457[15] : i32 from vector<16xi32>
          %add3A_459 = arith.addi %scan3A_317, %reduce_sum3A_458 : i32
          scf.yield %add3A_459 : i32
        }
        %scan3A_57 = arith.constant 125 : i32
        %iota3A = tpu.iota {dimensions = array<i32: 0>} : vector<16xi32>
        %broadcast_in_dim3A = arith.constant 0 : i32
        %broadcast_in_dim3A_58 = vector.broadcast %broadcast_in_dim3A : i32 to vector<16xi32>
        %mul3A_59 = arith.constant 8 : i32
        %mul3A_60 = arith.muli %arg1, %mul3A_59 : i32
        %add3A_61 = vector.broadcast %mul3A_60 : i32 to vector<16xi32>
        %add3A_62 = arith.addi %broadcast_in_dim3A_58, %add3A_61 : vector<16xi32>
        %broadcast_in_dim3A_63 = arith.constant 0 : i32
        %broadcast_in_dim3A_64 = vector.broadcast %broadcast_in_dim3A_63 : i32 to vector<16xi32>
        %add3A_65 = vector.broadcast %add3A_0 : i32 to vector<16xi32>
        %add3A_66 = arith.addi %broadcast_in_dim3A_64, %add3A_65 : vector<16xi32>
        %broadcast_in_dim3A_67 = arith.constant true
        %broadcast_in_dim3A_68 = vector.broadcast %broadcast_in_dim3A_67 : i1 to vector<16xi1>
        %add3A_69 = arith.constant 0 : i32
        %add3A_70 = arith.addi %scan3A_56, %add3A_69 : i32
        %add3A_71 = vector.broadcast %add3A_70 : i32 to vector<16xi32>
        %add3A_72 = arith.addi %add3A_71, %iota3A : vector<16xi32>
        %jit3A = arith.constant 32 : i32
        %div3A = vector.broadcast %jit3A : i32 to vector<16xi32>
        %div3A_73 = arith.divsi %add3A_72, %div3A : vector<16xi32>
        %sign3A = arith.constant 0 : i32
        %sign3A_74 = vector.broadcast %sign3A : i32 to vector<16xi32>
        %sign3A_75 = arith.cmpi sgt, %add3A_72, %sign3A_74 : vector<16xi32>
        %sign3A_76 = arith.extui %sign3A_75 : vector<16xi1> to vector<16xi32>
        %sign3A_77 = arith.constant 0 : i32
        %sign3A_78 = vector.broadcast %sign3A_77 : i32 to vector<16xi32>
        %sign3A_79 = arith.cmpi slt, %add3A_72, %sign3A_78 : vector<16xi32>
        %sign3A_80 = arith.extui %sign3A_79 : vector<16xi1> to vector<16xi32>
        %sign3A_81 = arith.subi %sign3A_76, %sign3A_80 : vector<16xi32>
        %sign3A_82 = arith.constant 0 : i32
        %sign3A_83 = arith.cmpi sgt, %jit3A, %sign3A_82 : i32
        %sign3A_84 = arith.extui %sign3A_83 : i1 to i32
        %sign3A_85 = arith.constant 0 : i32
        %sign3A_86 = arith.cmpi slt, %jit3A, %sign3A_85 : i32
        %sign3A_87 = arith.extui %sign3A_86 : i1 to i32
        %sign3A_88 = arith.subi %sign3A_84, %sign3A_87 : i32
        %ne3A = vector.broadcast %sign3A_88 : i32 to vector<16xi32>
        %ne3A_89 = arith.cmpi ne, %sign3A_81, %ne3A : vector<16xi32>
        %rem3A = vector.broadcast %jit3A : i32 to vector<16xi32>
        %rem3A_90 = arith.remsi %add3A_72, %rem3A : vector<16xi32>
        %ne3A_91 = arith.constant 0 : i32
        %ne3A_92 = vector.broadcast %ne3A_91 : i32 to vector<16xi32>
        %ne3A_93 = arith.cmpi ne, %rem3A_90, %ne3A_92 : vector<16xi32>
        %and3A = arith.andi %ne3A_89, %ne3A_93 : vector<16xi1>
        %sub3A = arith.constant 1 : i32
        %sub3A_94 = vector.broadcast %sub3A : i32 to vector<16xi32>
        %sub3A_95 = arith.subi %div3A_73, %sub3A_94 : vector<16xi32>
        %select_n3A = arith.select %and3A, %sub3A_95, %div3A_73 : vector<16xi1>, vector<16xi32>
        %jit3A_96 = arith.constant 32 : i32
        %eq3A = arith.constant 0 : i32
        %eq3A_97 = arith.cmpi eq, %jit3A_96, %eq3A : i32
        %jit3A_98 = arith.constant 1 : i32
        %select_n3A_99 = arith.select %eq3A_97, %jit3A_98, %jit3A_96 : i32
        %rem3A_100 = vector.broadcast %select_n3A_99 : i32 to vector<16xi32>
        %rem3A_101 = arith.remsi %add3A_72, %rem3A_100 : vector<16xi32>
        %ne3A_102 = arith.constant 0 : i32
        %ne3A_103 = vector.broadcast %ne3A_102 : i32 to vector<16xi32>
        %ne3A_104 = arith.cmpi ne, %rem3A_101, %ne3A_103 : vector<16xi32>
        %lt3A = arith.constant 0 : i32
        %lt3A_105 = vector.broadcast %lt3A : i32 to vector<16xi32>
        %lt3A_106 = arith.cmpi slt, %rem3A_101, %lt3A_105 : vector<16xi32>
        %lt3A_107 = arith.constant 0 : i32
        %lt3A_108 = arith.cmpi slt, %select_n3A_99, %lt3A_107 : i32
        %ne3A_109 = vector.broadcast %lt3A_108 : i1 to vector<16xi1>
        %ne3A_110 = vector.broadcast %ne3A_109 : vector<16xi1> to vector<16xi1>
        %ne3A_111 = arith.xori %lt3A_106, %ne3A_110 : vector<16xi1>
        %and3A_112 = arith.andi %ne3A_111, %ne3A_104 : vector<16xi1>
        %add3A_113 = vector.broadcast %select_n3A_99 : i32 to vector<16xi32>
        %add3A_114 = arith.addi %rem3A_101, %add3A_113 : vector<16xi32>
        %select_n3A_115 = arith.select %and3A_112, %add3A_114, %rem3A_101 : vector<16xi1>, vector<16xi32>
        tpu.vector_store_idx %arg18[%select_n3A, %select_n3A_115], %add3A_62 masked %broadcast_in_dim3A_68 : memref<64x32xi32, #tpu.memory_space<vmem>>[vector<16xi32>, vector<16xi32>], vector<16xi32>, vector<16xi1>
        %jit3A_116 = arith.constant 32 : i32
        %div3A_117 = vector.broadcast %jit3A_116 : i32 to vector<16xi32>
        %div3A_118 = arith.divsi %add3A_72, %div3A_117 : vector<16xi32>
        %sign3A_119 = arith.constant 0 : i32
        %sign3A_120 = vector.broadcast %sign3A_119 : i32 to vector<16xi32>
        %sign3A_121 = arith.cmpi sgt, %add3A_72, %sign3A_120 : vector<16xi32>
        %sign3A_122 = arith.extui %sign3A_121 : vector<16xi1> to vector<16xi32>
        %sign3A_123 = arith.constant 0 : i32
        %sign3A_124 = vector.broadcast %sign3A_123 : i32 to vector<16xi32>
        %sign3A_125 = arith.cmpi slt, %add3A_72, %sign3A_124 : vector<16xi32>
        %sign3A_126 = arith.extui %sign3A_125 : vector<16xi1> to vector<16xi32>
        %sign3A_127 = arith.subi %sign3A_122, %sign3A_126 : vector<16xi32>
        %sign3A_128 = arith.constant 0 : i32
        %sign3A_129 = arith.cmpi sgt, %jit3A_116, %sign3A_128 : i32
        %sign3A_130 = arith.extui %sign3A_129 : i1 to i32
        %sign3A_131 = arith.constant 0 : i32
        %sign3A_132 = arith.cmpi slt, %jit3A_116, %sign3A_131 : i32
        %sign3A_133 = arith.extui %sign3A_132 : i1 to i32
        %sign3A_134 = arith.subi %sign3A_130, %sign3A_133 : i32
        %ne3A_135 = vector.broadcast %sign3A_134 : i32 to vector<16xi32>
        %ne3A_136 = arith.cmpi ne, %sign3A_127, %ne3A_135 : vector<16xi32>
        %rem3A_137 = vector.broadcast %jit3A_116 : i32 to vector<16xi32>
        %rem3A_138 = arith.remsi %add3A_72, %rem3A_137 : vector<16xi32>
        %ne3A_139 = arith.constant 0 : i32
        %ne3A_140 = vector.broadcast %ne3A_139 : i32 to vector<16xi32>
        %ne3A_141 = arith.cmpi ne, %rem3A_138, %ne3A_140 : vector<16xi32>
        %and3A_142 = arith.andi %ne3A_136, %ne3A_141 : vector<16xi1>
        %sub3A_143 = arith.constant 1 : i32
        %sub3A_144 = vector.broadcast %sub3A_143 : i32 to vector<16xi32>
        %sub3A_145 = arith.subi %div3A_118, %sub3A_144 : vector<16xi32>
        %select_n3A_146 = arith.select %and3A_142, %sub3A_145, %div3A_118 : vector<16xi1>, vector<16xi32>
        %jit3A_147 = arith.constant 32 : i32
        %eq3A_148 = arith.constant 0 : i32
        %eq3A_149 = arith.cmpi eq, %jit3A_147, %eq3A_148 : i32
        %jit3A_150 = arith.constant 1 : i32
        %select_n3A_151 = arith.select %eq3A_149, %jit3A_150, %jit3A_147 : i32
        %rem3A_152 = vector.broadcast %select_n3A_151 : i32 to vector<16xi32>
        %rem3A_153 = arith.remsi %add3A_72, %rem3A_152 : vector<16xi32>
        %ne3A_154 = arith.constant 0 : i32
        %ne3A_155 = vector.broadcast %ne3A_154 : i32 to vector<16xi32>
        %ne3A_156 = arith.cmpi ne, %rem3A_153, %ne3A_155 : vector<16xi32>
        %lt3A_157 = arith.constant 0 : i32
        %lt3A_158 = vector.broadcast %lt3A_157 : i32 to vector<16xi32>
        %lt3A_159 = arith.cmpi slt, %rem3A_153, %lt3A_158 : vector<16xi32>
        %lt3A_160 = arith.constant 0 : i32
        %lt3A_161 = arith.cmpi slt, %select_n3A_151, %lt3A_160 : i32
        %ne3A_162 = vector.broadcast %lt3A_161 : i1 to vector<16xi1>
        %ne3A_163 = vector.broadcast %ne3A_162 : vector<16xi1> to vector<16xi1>
        %ne3A_164 = arith.xori %lt3A_159, %ne3A_163 : vector<16xi1>
        %and3A_165 = arith.andi %ne3A_164, %ne3A_156 : vector<16xi1>
        %add3A_166 = vector.broadcast %select_n3A_151 : i32 to vector<16xi32>
        %add3A_167 = arith.addi %rem3A_153, %add3A_166 : vector<16xi32>
        %select_n3A_168 = arith.select %and3A_165, %add3A_167, %rem3A_153 : vector<16xi1>, vector<16xi32>
        tpu.vector_store_idx %arg19[%select_n3A_146, %select_n3A_168], %add3A_66 masked %broadcast_in_dim3A_68 : memref<64x32xi32, #tpu.memory_space<vmem>>[vector<16xi32>, vector<16xi32>], vector<16xi32>, vector<16xi1>
        %add3A_169 = arith.constant 16 : i32
        %add3A_170 = arith.addi %scan3A_56, %add3A_169 : i32
        %add3A_171 = vector.broadcast %add3A_170 : i32 to vector<16xi32>
        %add3A_172 = arith.addi %add3A_171, %iota3A : vector<16xi32>
        %jit3A_173 = arith.constant 32 : i32
        %div3A_174 = vector.broadcast %jit3A_173 : i32 to vector<16xi32>
        %div3A_175 = arith.divsi %add3A_172, %div3A_174 : vector<16xi32>
        %sign3A_176 = arith.constant 0 : i32
        %sign3A_177 = vector.broadcast %sign3A_176 : i32 to vector<16xi32>
        %sign3A_178 = arith.cmpi sgt, %add3A_172, %sign3A_177 : vector<16xi32>
        %sign3A_179 = arith.extui %sign3A_178 : vector<16xi1> to vector<16xi32>
        %sign3A_180 = arith.constant 0 : i32
        %sign3A_181 = vector.broadcast %sign3A_180 : i32 to vector<16xi32>
        %sign3A_182 = arith.cmpi slt, %add3A_172, %sign3A_181 : vector<16xi32>
        %sign3A_183 = arith.extui %sign3A_182 : vector<16xi1> to vector<16xi32>
        %sign3A_184 = arith.subi %sign3A_179, %sign3A_183 : vector<16xi32>
        %sign3A_185 = arith.constant 0 : i32
        %sign3A_186 = arith.cmpi sgt, %jit3A_173, %sign3A_185 : i32
        %sign3A_187 = arith.extui %sign3A_186 : i1 to i32
        %sign3A_188 = arith.constant 0 : i32
        %sign3A_189 = arith.cmpi slt, %jit3A_173, %sign3A_188 : i32
        %sign3A_190 = arith.extui %sign3A_189 : i1 to i32
        %sign3A_191 = arith.subi %sign3A_187, %sign3A_190 : i32
        %ne3A_192 = vector.broadcast %sign3A_191 : i32 to vector<16xi32>
        %ne3A_193 = arith.cmpi ne, %sign3A_184, %ne3A_192 : vector<16xi32>
        %rem3A_194 = vector.broadcast %jit3A_173 : i32 to vector<16xi32>
        %rem3A_195 = arith.remsi %add3A_172, %rem3A_194 : vector<16xi32>
        %ne3A_196 = arith.constant 0 : i32
        %ne3A_197 = vector.broadcast %ne3A_196 : i32 to vector<16xi32>
        %ne3A_198 = arith.cmpi ne, %rem3A_195, %ne3A_197 : vector<16xi32>
        %and3A_199 = arith.andi %ne3A_193, %ne3A_198 : vector<16xi1>
        %sub3A_200 = arith.constant 1 : i32
        %sub3A_201 = vector.broadcast %sub3A_200 : i32 to vector<16xi32>
        %sub3A_202 = arith.subi %div3A_175, %sub3A_201 : vector<16xi32>
        %select_n3A_203 = arith.select %and3A_199, %sub3A_202, %div3A_175 : vector<16xi1>, vector<16xi32>
        %jit3A_204 = arith.constant 32 : i32
        %eq3A_205 = arith.constant 0 : i32
        %eq3A_206 = arith.cmpi eq, %jit3A_204, %eq3A_205 : i32
        %jit3A_207 = arith.constant 1 : i32
        %select_n3A_208 = arith.select %eq3A_206, %jit3A_207, %jit3A_204 : i32
        %rem3A_209 = vector.broadcast %select_n3A_208 : i32 to vector<16xi32>
        %rem3A_210 = arith.remsi %add3A_172, %rem3A_209 : vector<16xi32>
        %ne3A_211 = arith.constant 0 : i32
        %ne3A_212 = vector.broadcast %ne3A_211 : i32 to vector<16xi32>
        %ne3A_213 = arith.cmpi ne, %rem3A_210, %ne3A_212 : vector<16xi32>
        %lt3A_214 = arith.constant 0 : i32
        %lt3A_215 = vector.broadcast %lt3A_214 : i32 to vector<16xi32>
        %lt3A_216 = arith.cmpi slt, %rem3A_210, %lt3A_215 : vector<16xi32>
        %lt3A_217 = arith.constant 0 : i32
        %lt3A_218 = arith.cmpi slt, %select_n3A_208, %lt3A_217 : i32
        %ne3A_219 = vector.broadcast %lt3A_218 : i1 to vector<16xi1>
        %ne3A_220 = vector.broadcast %ne3A_219 : vector<16xi1> to vector<16xi1>
        %ne3A_221 = arith.xori %lt3A_216, %ne3A_220 : vector<16xi1>
        %and3A_222 = arith.andi %ne3A_221, %ne3A_213 : vector<16xi1>
        %add3A_223 = vector.broadcast %select_n3A_208 : i32 to vector<16xi32>
        %add3A_224 = arith.addi %rem3A_210, %add3A_223 : vector<16xi32>
        %select_n3A_225 = arith.select %and3A_222, %add3A_224, %rem3A_210 : vector<16xi1>, vector<16xi32>
        tpu.vector_store_idx %arg18[%select_n3A_203, %select_n3A_225], %add3A_62 masked %broadcast_in_dim3A_68 : memref<64x32xi32, #tpu.memory_space<vmem>>[vector<16xi32>, vector<16xi32>], vector<16xi32>, vector<16xi1>
        %jit3A_226 = arith.constant 32 : i32
        %div3A_227 = vector.broadcast %jit3A_226 : i32 to vector<16xi32>
        %div3A_228 = arith.divsi %add3A_172, %div3A_227 : vector<16xi32>
        %sign3A_229 = arith.constant 0 : i32
        %sign3A_230 = vector.broadcast %sign3A_229 : i32 to vector<16xi32>
        %sign3A_231 = arith.cmpi sgt, %add3A_172, %sign3A_230 : vector<16xi32>
        %sign3A_232 = arith.extui %sign3A_231 : vector<16xi1> to vector<16xi32>
        %sign3A_233 = arith.constant 0 : i32
        %sign3A_234 = vector.broadcast %sign3A_233 : i32 to vector<16xi32>
        %sign3A_235 = arith.cmpi slt, %add3A_172, %sign3A_234 : vector<16xi32>
        %sign3A_236 = arith.extui %sign3A_235 : vector<16xi1> to vector<16xi32>
        %sign3A_237 = arith.subi %sign3A_232, %sign3A_236 : vector<16xi32>
        %sign3A_238 = arith.constant 0 : i32
        %sign3A_239 = arith.cmpi sgt, %jit3A_226, %sign3A_238 : i32
        %sign3A_240 = arith.extui %sign3A_239 : i1 to i32
        %sign3A_241 = arith.constant 0 : i32
        %sign3A_242 = arith.cmpi slt, %jit3A_226, %sign3A_241 : i32
        %sign3A_243 = arith.extui %sign3A_242 : i1 to i32
        %sign3A_244 = arith.subi %sign3A_240, %sign3A_243 : i32
        %ne3A_245 = vector.broadcast %sign3A_244 : i32 to vector<16xi32>
        %ne3A_246 = arith.cmpi ne, %sign3A_237, %ne3A_245 : vector<16xi32>
        %rem3A_247 = vector.broadcast %jit3A_226 : i32 to vector<16xi32>
        %rem3A_248 = arith.remsi %add3A_172, %rem3A_247 : vector<16xi32>
        %ne3A_249 = arith.constant 0 : i32
        %ne3A_250 = vector.broadcast %ne3A_249 : i32 to vector<16xi32>
        %ne3A_251 = arith.cmpi ne, %rem3A_248, %ne3A_250 : vector<16xi32>
        %and3A_252 = arith.andi %ne3A_246, %ne3A_251 : vector<16xi1>
        %sub3A_253 = arith.constant 1 : i32
        %sub3A_254 = vector.broadcast %sub3A_253 : i32 to vector<16xi32>
        %sub3A_255 = arith.subi %div3A_228, %sub3A_254 : vector<16xi32>
        %select_n3A_256 = arith.select %and3A_252, %sub3A_255, %div3A_228 : vector<16xi1>, vector<16xi32>
        %jit3A_257 = arith.constant 32 : i32
        %eq3A_258 = arith.constant 0 : i32
        %eq3A_259 = arith.cmpi eq, %jit3A_257, %eq3A_258 : i32
        %jit3A_260 = arith.constant 1 : i32
        %select_n3A_261 = arith.select %eq3A_259, %jit3A_260, %jit3A_257 : i32
        %rem3A_262 = vector.broadcast %select_n3A_261 : i32 to vector<16xi32>
        %rem3A_263 = arith.remsi %add3A_172, %rem3A_262 : vector<16xi32>
        %ne3A_264 = arith.constant 0 : i32
        %ne3A_265 = vector.broadcast %ne3A_264 : i32 to vector<16xi32>
        %ne3A_266 = arith.cmpi ne, %rem3A_263, %ne3A_265 : vector<16xi32>
        %lt3A_267 = arith.constant 0 : i32
        %lt3A_268 = vector.broadcast %lt3A_267 : i32 to vector<16xi32>
        %lt3A_269 = arith.cmpi slt, %rem3A_263, %lt3A_268 : vector<16xi32>
        %lt3A_270 = arith.constant 0 : i32
        %lt3A_271 = arith.cmpi slt, %select_n3A_261, %lt3A_270 : i32
        %ne3A_272 = vector.broadcast %lt3A_271 : i1 to vector<16xi1>
        %ne3A_273 = vector.broadcast %ne3A_272 : vector<16xi1> to vector<16xi1>
        %ne3A_274 = arith.xori %lt3A_269, %ne3A_273 : vector<16xi1>
        %and3A_275 = arith.andi %ne3A_274, %ne3A_266 : vector<16xi1>
        %add3A_276 = vector.broadcast %select_n3A_261 : i32 to vector<16xi32>
        %add3A_277 = arith.addi %rem3A_263, %add3A_276 : vector<16xi32>
        %select_n3A_278 = arith.select %and3A_275, %add3A_277, %rem3A_263 : vector<16xi1>, vector<16xi32>
        tpu.vector_store_idx %arg19[%select_n3A_256, %select_n3A_278], %add3A_66 masked %broadcast_in_dim3A_68 : memref<64x32xi32, #tpu.memory_space<vmem>>[vector<16xi32>, vector<16xi32>], vector<16xi32>, vector<16xi1>
        %add3A_279 = arith.constant 32 : i32
        %add3A_280 = arith.addi %scan3A_56, %add3A_279 : i32
        %sub3A_281 = arith.constant 1 : i32
        %sub3A_282 = arith.subi %add3A_280, %sub3A_281 : i32
        %jit3A_283 = arith.constant 32 : i32
        %div3A_284 = arith.divsi %sub3A_282, %jit3A_283 : i32
        %sign3A_285 = arith.constant 0 : i32
        %sign3A_286 = arith.cmpi sgt, %sub3A_282, %sign3A_285 : i32
        %sign3A_287 = arith.extui %sign3A_286 : i1 to i32
        %sign3A_288 = arith.constant 0 : i32
        %sign3A_289 = arith.cmpi slt, %sub3A_282, %sign3A_288 : i32
        %sign3A_290 = arith.extui %sign3A_289 : i1 to i32
        %sign3A_291 = arith.subi %sign3A_287, %sign3A_290 : i32
        %sign3A_292 = arith.constant 0 : i32
        %sign3A_293 = arith.cmpi sgt, %jit3A_283, %sign3A_292 : i32
        %sign3A_294 = arith.extui %sign3A_293 : i1 to i32
        %sign3A_295 = arith.constant 0 : i32
        %sign3A_296 = arith.cmpi slt, %jit3A_283, %sign3A_295 : i32
        %sign3A_297 = arith.extui %sign3A_296 : i1 to i32
        %sign3A_298 = arith.subi %sign3A_294, %sign3A_297 : i32
        %ne3A_299 = arith.cmpi ne, %sign3A_291, %sign3A_298 : i32
        %rem3A_300 = arith.remsi %sub3A_282, %jit3A_283 : i32
        %ne3A_301 = arith.constant 0 : i32
        %ne3A_302 = arith.cmpi ne, %rem3A_300, %ne3A_301 : i32
        %and3A_303 = arith.andi %ne3A_299, %ne3A_302 : i1
        %sub3A_304 = arith.constant 1 : i32
        %sub3A_305 = arith.subi %div3A_284, %sub3A_304 : i32
        %select_n3A_306 = arith.select %and3A_303, %sub3A_305, %div3A_284 : i32
        %while3A = arith.constant 0 : i32
        %while3A_307 = arith.constant 0 : i32
        %while3A_308 = arith.subi %select_n3A_306, %while3A_307 : i32
        %while3A_309 = arith.addi %while3A_307, %while3A_308 : i32
        %while3A_310 = arith.constant 1 : i32
        %while3A_311 = arith.divsi %while3A_308, %while3A_310 : i32
        %while3A_312 = arith.muli %while3A_311, %while3A_310 : i32
        %while3A_313 = arith.addi %while3A_307, %while3A_312 : i32
        %while3A_314 = arith.constant 1 : i32
        scf.for %while3A_316 = %while3A_307 to %while3A_313 step %while3A_314  : i32 {
          %dma_start3A = arith.constant 0 : i32
          %dma_start3A_317 = tpu.memref_slice %arg18[%while3A_316, %dma_start3A] : memref<64x32xi32, #tpu.memory_space<vmem>> -> memref<1x32xi32, #tpu.memory_space<vmem>>
          %dma_start3A_318 = tpu.memref_squeeze %dma_start3A_317 : memref<1x32xi32, #tpu.memory_space<vmem>> -> memref<32xi32, #tpu.memory_space<vmem>>
          %dma_start3A_319 = arith.constant 0 : i32
          %dma_start3A_320 = arith.constant 0 : i32
          %dma_start3A_321 = tpu.memref_slice %arg2[%dma_start3A_319, %dma_start3A_320] : memref<10000x128xf32, #tpu.memory_space<hbm>> -> memref<10000x128xf32, #tpu.memory_space<hbm>>
          tpu.enqueue_indirect_dma source(%dma_start3A_321 : memref<10000x128xf32, #tpu.memory_space<hbm>>) target(%arg20 : memref<32x128xf32, #tpu.memory_space<vmem>>) offsets(%dma_start3A_318 : memref<32xi32, #tpu.memory_space<vmem>>) semaphore(%arg24 : memref<!tpu.dma_semaphore, #tpu.memory_space<semaphore_mem>>)
          %dma_start3A_322 = arith.constant 0 : i32
          %dma_start3A_323 = tpu.memref_slice %arg18[%while3A_316, %dma_start3A_322] : memref<64x32xi32, #tpu.memory_space<vmem>> -> memref<1x32xi32, #tpu.memory_space<vmem>>
          %dma_start3A_324 = tpu.memref_squeeze %dma_start3A_323 : memref<1x32xi32, #tpu.memory_space<vmem>> -> memref<32xi32, #tpu.memory_space<vmem>>
          %dma_start3A_325 = arith.constant 0 : i32
          %dma_start3A_326 = arith.constant 0 : i32
          %dma_start3A_327 = tpu.memref_slice %arg3[%dma_start3A_325, %dma_start3A_326] : memref<10000x128xf32, #tpu.memory_space<hbm>> -> memref<10000x128xf32, #tpu.memory_space<hbm>>
          tpu.enqueue_indirect_dma source(%dma_start3A_327 : memref<10000x128xf32, #tpu.memory_space<hbm>>) target(%arg21 : memref<32x128xf32, #tpu.memory_space<vmem>>) offsets(%dma_start3A_324 : memref<32xi32, #tpu.memory_space<vmem>>) semaphore(%arg24 : memref<!tpu.dma_semaphore, #tpu.memory_space<semaphore_mem>>)
          %dma_start3A_328 = arith.constant 0 : i32
          %dma_start3A_329 = tpu.memref_slice %arg18[%while3A_316, %dma_start3A_328] : memref<64x32xi32, #tpu.memory_space<vmem>> -> memref<1x32xi32, #tpu.memory_space<vmem>>
          %dma_start3A_330 = tpu.memref_squeeze %dma_start3A_329 : memref<1x32xi32, #tpu.memory_space<vmem>> -> memref<32xi32, #tpu.memory_space<vmem>>
          %dma_start3A_331 = arith.constant 0 : i32
          %dma_start3A_332 = arith.constant 0 : i32
          %dma_start3A_333 = tpu.memref_slice %arg4[%dma_start3A_331, %dma_start3A_332] : memref<10000x128xf32, #tpu.memory_space<hbm>> -> memref<10000x128xf32, #tpu.memory_space<hbm>>
          tpu.enqueue_indirect_dma source(%dma_start3A_333 : memref<10000x128xf32, #tpu.memory_space<hbm>>) target(%arg22 : memref<32x128xf32, #tpu.memory_space<vmem>>) offsets(%dma_start3A_330 : memref<32xi32, #tpu.memory_space<vmem>>) semaphore(%arg24 : memref<!tpu.dma_semaphore, #tpu.memory_space<semaphore_mem>>)
          "tpu.region"() ({
            %run_scoped3A = tpu.sem_alloc : memref<!tpu.dma_semaphore, #tpu.memory_space<semaphore_mem>>
            %dma_start3A_351 = arith.constant 0 : i32
            %dma_start3A_352 = tpu.memref_slice %arg19[%while3A_316, %dma_start3A_351] : memref<64x32xi32, #tpu.memory_space<vmem>> -> memref<1x32xi32, #tpu.memory_space<vmem>>
            %dma_start3A_353 = tpu.memref_squeeze %dma_start3A_352 : memref<1x32xi32, #tpu.memory_space<vmem>> -> memref<32xi32, #tpu.memory_space<vmem>>
            %dma_start3A_354 = arith.constant 0 : i32
            %dma_start3A_355 = arith.constant 0 : i32
            %dma_start3A_356 = tpu.memref_slice %arg16[%dma_start3A_354, %dma_start3A_355] : memref<3200x16xf32, #tpu.memory_space<vmem_shared>> -> memref<3200x16xf32, #tpu.memory_space<vmem_shared>>
            tpu.enqueue_indirect_dma source(%arg23 : memref<32x16xf32, #tpu.memory_space<vmem>>) target(%dma_start3A_356 : memref<3200x16xf32, #tpu.memory_space<vmem_shared>>) offsets(%dma_start3A_353 : memref<32xi32, #tpu.memory_space<vmem>>) semaphore(%run_scoped3A : memref<!tpu.dma_semaphore, #tpu.memory_space<semaphore_mem>>) {add = true}
            %dma_wait3A_357 = arith.constant 0 : i32
            %dma_wait3A_358 = tpu.memref_slice %arg19[%while3A_316, %dma_wait3A_357] : memref<64x32xi32, #tpu.memory_space<vmem>> -> memref<1x32xi32, #tpu.memory_space<vmem>>
            %dma_wait3A_359 = tpu.memref_squeeze %dma_wait3A_358 : memref<1x32xi32, #tpu.memory_space<vmem>> -> memref<32xi32, #tpu.memory_space<vmem>>
            %dma_wait3A_360 = arith.constant 0 : i32
            %dma_wait3A_361 = arith.constant 0 : i32
            %dma_wait3A_362 = tpu.memref_slice %arg16[%dma_wait3A_360, %dma_wait3A_361] : memref<3200x16xf32, #tpu.memory_space<vmem_shared>> -> memref<3200x16xf32, #tpu.memory_space<vmem_shared>>
            tpu.wait_indirect_dma semaphore(%run_scoped3A : memref<!tpu.dma_semaphore, #tpu.memory_space<semaphore_mem>>) src(%arg23 : memref<32x16xf32, #tpu.memory_space<vmem>>) dst(%dma_wait3A_362 : memref<3200x16xf32, #tpu.memory_space<vmem_shared>>)
            tpu.yield
          }) : () -> ()
          %dma_wait3A = arith.constant 0 : i32
          %dma_wait3A_334 = tpu.memref_slice %arg18[%while3A_316, %dma_wait3A] : memref<64x32xi32, #tpu.memory_space<vmem>> -> memref<1x32xi32, #tpu.memory_space<vmem>>
          %dma_wait3A_335 = tpu.memref_squeeze %dma_wait3A_334 : memref<1x32xi32, #tpu.memory_space<vmem>> -> memref<32xi32, #tpu.memory_space<vmem>>
          %dma_wait3A_336 = arith.constant 0 : i32
          %dma_wait3A_337 = arith.constant 0 : i32
          %dma_wait3A_338 = tpu.memref_slice %arg2[%dma_wait3A_336, %dma_wait3A_337] : memref<10000x128xf32, #tpu.memory_space<hbm>> -> memref<10000x128xf32, #tpu.memory_space<hbm>>
          tpu.wait_indirect_dma semaphore(%arg24 : memref<!tpu.dma_semaphore, #tpu.memory_space<semaphore_mem>>) src(%dma_wait3A_338 : memref<10000x128xf32, #tpu.memory_space<hbm>>) dst(%arg20 : memref<32x128xf32, #tpu.memory_space<vmem>>)
          %dma_wait3A_339 = arith.constant 0 : i32
          %dma_wait3A_340 = tpu.memref_slice %arg18[%while3A_316, %dma_wait3A_339] : memref<64x32xi32, #tpu.memory_space<vmem>> -> memref<1x32xi32, #tpu.memory_space<vmem>>
          %dma_wait3A_341 = tpu.memref_squeeze %dma_wait3A_340 : memref<1x32xi32, #tpu.memory_space<vmem>> -> memref<32xi32, #tpu.memory_space<vmem>>
          %dma_wait3A_342 = arith.constant 0 : i32
          %dma_wait3A_343 = arith.constant 0 : i32
          %dma_wait3A_344 = tpu.memref_slice %arg3[%dma_wait3A_342, %dma_wait3A_343] : memref<10000x128xf32, #tpu.memory_space<hbm>> -> memref<10000x128xf32, #tpu.memory_space<hbm>>
          tpu.wait_indirect_dma semaphore(%arg24 : memref<!tpu.dma_semaphore, #tpu.memory_space<semaphore_mem>>) src(%dma_wait3A_344 : memref<10000x128xf32, #tpu.memory_space<hbm>>) dst(%arg21 : memref<32x128xf32, #tpu.memory_space<vmem>>)
          %dma_wait3A_345 = arith.constant 0 : i32
          %dma_wait3A_346 = tpu.memref_slice %arg18[%while3A_316, %dma_wait3A_345] : memref<64x32xi32, #tpu.memory_space<vmem>> -> memref<1x32xi32, #tpu.memory_space<vmem>>
          %dma_wait3A_347 = tpu.memref_squeeze %dma_wait3A_346 : memref<1x32xi32, #tpu.memory_space<vmem>> -> memref<32xi32, #tpu.memory_space<vmem>>
          %dma_wait3A_348 = arith.constant 0 : i32
          %dma_wait3A_349 = arith.constant 0 : i32
          %dma_wait3A_350 = tpu.memref_slice %arg4[%dma_wait3A_348, %dma_wait3A_349] : memref<10000x128xf32, #tpu.memory_space<hbm>> -> memref<10000x128xf32, #tpu.memory_space<hbm>>
          tpu.wait_indirect_dma semaphore(%arg24 : memref<!tpu.dma_semaphore, #tpu.memory_space<semaphore_mem>>) src(%dma_wait3A_350 : memref<10000x128xf32, #tpu.memory_space<hbm>>) dst(%arg22 : memref<32x128xf32, #tpu.memory_space<vmem>>)
          "tpu.region"() ({
            %run_scoped3A = tpu.sem_alloc : memref<!tpu.dma_semaphore, #tpu.memory_space<semaphore_mem>>
            %dma_start3A_351 = arith.constant 0 : i32
            %dma_start3A_352 = tpu.memref_slice %arg19[%while3A_316, %dma_start3A_351] : memref<64x32xi32, #tpu.memory_space<vmem>> -> memref<1x32xi32, #tpu.memory_space<vmem>>
            %dma_start3A_353 = tpu.memref_squeeze %dma_start3A_352 : memref<1x32xi32, #tpu.memory_space<vmem>> -> memref<32xi32, #tpu.memory_space<vmem>>
            %dma_start3A_354 = arith.constant 0 : i32
            %dma_start3A_355 = arith.constant 0 : i32
            %dma_start3A_356 = tpu.memref_slice %arg13[%dma_start3A_354, %dma_start3A_355] : memref<3200x128xf32, #tpu.memory_space<vmem_shared>> -> memref<3200x128xf32, #tpu.memory_space<vmem_shared>>
            tpu.enqueue_indirect_dma source(%arg20 : memref<32x128xf32, #tpu.memory_space<vmem>>) target(%dma_start3A_356 : memref<3200x128xf32, #tpu.memory_space<vmem_shared>>) offsets(%dma_start3A_353 : memref<32xi32, #tpu.memory_space<vmem>>) semaphore(%run_scoped3A : memref<!tpu.dma_semaphore, #tpu.memory_space<semaphore_mem>>) {add = true}
            %dma_wait3A_357 = arith.constant 0 : i32
            %dma_wait3A_358 = tpu.memref_slice %arg19[%while3A_316, %dma_wait3A_357] : memref<64x32xi32, #tpu.memory_space<vmem>> -> memref<1x32xi32, #tpu.memory_space<vmem>>
            %dma_wait3A_359 = tpu.memref_squeeze %dma_wait3A_358 : memref<1x32xi32, #tpu.memory_space<vmem>> -> memref<32xi32, #tpu.memory_space<vmem>>
            %dma_wait3A_360 = arith.constant 0 : i32
            %dma_wait3A_361 = arith.constant 0 : i32
            %dma_wait3A_362 = tpu.memref_slice %arg13[%dma_wait3A_360, %dma_wait3A_361] : memref<3200x128xf32, #tpu.memory_space<vmem_shared>> -> memref<3200x128xf32, #tpu.memory_space<vmem_shared>>
            tpu.wait_indirect_dma semaphore(%run_scoped3A : memref<!tpu.dma_semaphore, #tpu.memory_space<semaphore_mem>>) src(%arg20 : memref<32x128xf32, #tpu.memory_space<vmem>>) dst(%dma_wait3A_362 : memref<3200x128xf32, #tpu.memory_space<vmem_shared>>)
            tpu.yield
          }) : () -> ()
          "tpu.region"() ({
            %run_scoped3A = tpu.sem_alloc : memref<!tpu.dma_semaphore, #tpu.memory_space<semaphore_mem>>
            %dma_start3A_351 = arith.constant 0 : i32
            %dma_start3A_352 = tpu.memref_slice %arg19[%while3A_316, %dma_start3A_351] : memref<64x32xi32, #tpu.memory_space<vmem>> -> memref<1x32xi32, #tpu.memory_space<vmem>>
            %dma_start3A_353 = tpu.memref_squeeze %dma_start3A_352 : memref<1x32xi32, #tpu.memory_space<vmem>> -> memref<32xi32, #tpu.memory_space<vmem>>
            %dma_start3A_354 = arith.constant 0 : i32
            %dma_start3A_355 = arith.constant 0 : i32
            %dma_start3A_356 = tpu.memref_slice %arg14[%dma_start3A_354, %dma_start3A_355] : memref<3200x128xf32, #tpu.memory_space<vmem_shared>> -> memref<3200x128xf32, #tpu.memory_space<vmem_shared>>
            tpu.enqueue_indirect_dma source(%arg21 : memref<32x128xf32, #tpu.memory_space<vmem>>) target(%dma_start3A_356 : memref<3200x128xf32, #tpu.memory_space<vmem_shared>>) offsets(%dma_start3A_353 : memref<32xi32, #tpu.memory_space<vmem>>) semaphore(%run_scoped3A : memref<!tpu.dma_semaphore, #tpu.memory_space<semaphore_mem>>) {add = true}
            %dma_wait3A_357 = arith.constant 0 : i32
            %dma_wait3A_358 = tpu.memref_slice %arg19[%while3A_316, %dma_wait3A_357] : memref<64x32xi32, #tpu.memory_space<vmem>> -> memref<1x32xi32, #tpu.memory_space<vmem>>
            %dma_wait3A_359 = tpu.memref_squeeze %dma_wait3A_358 : memref<1x32xi32, #tpu.memory_space<vmem>> -> memref<32xi32, #tpu.memory_space<vmem>>
            %dma_wait3A_360 = arith.constant 0 : i32
            %dma_wait3A_361 = arith.constant 0 : i32
            %dma_wait3A_362 = tpu.memref_slice %arg14[%dma_wait3A_360, %dma_wait3A_361] : memref<3200x128xf32, #tpu.memory_space<vmem_shared>> -> memref<3200x128xf32, #tpu.memory_space<vmem_shared>>
            tpu.wait_indirect_dma semaphore(%run_scoped3A : memref<!tpu.dma_semaphore, #tpu.memory_space<semaphore_mem>>) src(%arg21 : memref<32x128xf32, #tpu.memory_space<vmem>>) dst(%dma_wait3A_362 : memref<3200x128xf32, #tpu.memory_space<vmem_shared>>)
            tpu.yield
          }) : () -> ()
          "tpu.region"() ({
            %run_scoped3A = tpu.sem_alloc : memref<!tpu.dma_semaphore, #tpu.memory_space<semaphore_mem>>
            %dma_start3A_351 = arith.constant 0 : i32
            %dma_start3A_352 = tpu.memref_slice %arg19[%while3A_316, %dma_start3A_351] : memref<64x32xi32, #tpu.memory_space<vmem>> -> memref<1x32xi32, #tpu.memory_space<vmem>>
            %dma_start3A_353 = tpu.memref_squeeze %dma_start3A_352 : memref<1x32xi32, #tpu.memory_space<vmem>> -> memref<32xi32, #tpu.memory_space<vmem>>
            %dma_start3A_354 = arith.constant 0 : i32
            %dma_start3A_355 = arith.constant 0 : i32
            %dma_start3A_356 = tpu.memref_slice %arg15[%dma_start3A_354, %dma_start3A_355] : memref<3200x128xf32, #tpu.memory_space<vmem_shared>> -> memref<3200x128xf32, #tpu.memory_space<vmem_shared>>
            tpu.enqueue_indirect_dma source(%arg22 : memref<32x128xf32, #tpu.memory_space<vmem>>) target(%dma_start3A_356 : memref<3200x128xf32, #tpu.memory_space<vmem_shared>>) offsets(%dma_start3A_353 : memref<32xi32, #tpu.memory_space<vmem>>) semaphore(%run_scoped3A : memref<!tpu.dma_semaphore, #tpu.memory_space<semaphore_mem>>) {add = true}
            %dma_wait3A_357 = arith.constant 0 : i32
            %dma_wait3A_358 = tpu.memref_slice %arg19[%while3A_316, %dma_wait3A_357] : memref<64x32xi32, #tpu.memory_space<vmem>> -> memref<1x32xi32, #tpu.memory_space<vmem>>
            %dma_wait3A_359 = tpu.memref_squeeze %dma_wait3A_358 : memref<1x32xi32, #tpu.memory_space<vmem>> -> memref<32xi32, #tpu.memory_space<vmem>>
            %dma_wait3A_360 = arith.constant 0 : i32
            %dma_wait3A_361 = arith.constant 0 : i32
            %dma_wait3A_362 = tpu.memref_slice %arg15[%dma_wait3A_360, %dma_wait3A_361] : memref<3200x128xf32, #tpu.memory_space<vmem_shared>> -> memref<3200x128xf32, #tpu.memory_space<vmem_shared>>
            tpu.wait_indirect_dma semaphore(%run_scoped3A : memref<!tpu.dma_semaphore, #tpu.memory_space<semaphore_mem>>) src(%arg22 : memref<32x128xf32, #tpu.memory_space<vmem>>) dst(%dma_wait3A_362 : memref<3200x128xf32, #tpu.memory_space<vmem_shared>>)
            tpu.yield
          }) : () -> ()
        }
        %while3A_315 = arith.constant 1 : i32
        scf.for %while3A_316 = %while3A_313 to %while3A_309 step %while3A_315  : i32 {
          %dma_start3A = arith.constant 0 : i32
          %dma_start3A_317 = tpu.memref_slice %arg18[%while3A_316, %dma_start3A] : memref<64x32xi32, #tpu.memory_space<vmem>> -> memref<1x32xi32, #tpu.memory_space<vmem>>
          %dma_start3A_318 = tpu.memref_squeeze %dma_start3A_317 : memref<1x32xi32, #tpu.memory_space<vmem>> -> memref<32xi32, #tpu.memory_space<vmem>>
          %dma_start3A_319 = arith.constant 0 : i32
          %dma_start3A_320 = arith.constant 0 : i32
          %dma_start3A_321 = tpu.memref_slice %arg2[%dma_start3A_319, %dma_start3A_320] : memref<10000x128xf32, #tpu.memory_space<hbm>> -> memref<10000x128xf32, #tpu.memory_space<hbm>>
          tpu.enqueue_indirect_dma source(%dma_start3A_321 : memref<10000x128xf32, #tpu.memory_space<hbm>>) target(%arg20 : memref<32x128xf32, #tpu.memory_space<vmem>>) offsets(%dma_start3A_318 : memref<32xi32, #tpu.memory_space<vmem>>) semaphore(%arg24 : memref<!tpu.dma_semaphore, #tpu.memory_space<semaphore_mem>>)
          %dma_start3A_322 = arith.constant 0 : i32
          %dma_start3A_323 = tpu.memref_slice %arg18[%while3A_316, %dma_start3A_322] : memref<64x32xi32, #tpu.memory_space<vmem>> -> memref<1x32xi32, #tpu.memory_space<vmem>>
          %dma_start3A_324 = tpu.memref_squeeze %dma_start3A_323 : memref<1x32xi32, #tpu.memory_space<vmem>> -> memref<32xi32, #tpu.memory_space<vmem>>
          %dma_start3A_325 = arith.constant 0 : i32
          %dma_start3A_326 = arith.constant 0 : i32
          %dma_start3A_327 = tpu.memref_slice %arg3[%dma_start3A_325, %dma_start3A_326] : memref<10000x128xf32, #tpu.memory_space<hbm>> -> memref<10000x128xf32, #tpu.memory_space<hbm>>
          tpu.enqueue_indirect_dma source(%dma_start3A_327 : memref<10000x128xf32, #tpu.memory_space<hbm>>) target(%arg21 : memref<32x128xf32, #tpu.memory_space<vmem>>) offsets(%dma_start3A_324 : memref<32xi32, #tpu.memory_space<vmem>>) semaphore(%arg24 : memref<!tpu.dma_semaphore, #tpu.memory_space<semaphore_mem>>)
          %dma_start3A_328 = arith.constant 0 : i32
          %dma_start3A_329 = tpu.memref_slice %arg18[%while3A_316, %dma_start3A_328] : memref<64x32xi32, #tpu.memory_space<vmem>> -> memref<1x32xi32, #tpu.memory_space<vmem>>
          %dma_start3A_330 = tpu.memref_squeeze %dma_start3A_329 : memref<1x32xi32, #tpu.memory_space<vmem>> -> memref<32xi32, #tpu.memory_space<vmem>>
          %dma_start3A_331 = arith.constant 0 : i32
          %dma_start3A_332 = arith.constant 0 : i32
          %dma_start3A_333 = tpu.memref_slice %arg4[%dma_start3A_331, %dma_start3A_332] : memref<10000x128xf32, #tpu.memory_space<hbm>> -> memref<10000x128xf32, #tpu.memory_space<hbm>>
          tpu.enqueue_indirect_dma source(%dma_start3A_333 : memref<10000x128xf32, #tpu.memory_space<hbm>>) target(%arg22 : memref<32x128xf32, #tpu.memory_space<vmem>>) offsets(%dma_start3A_330 : memref<32xi32, #tpu.memory_space<vmem>>) semaphore(%arg24 : memref<!tpu.dma_semaphore, #tpu.memory_space<semaphore_mem>>)
          "tpu.region"() ({
            %run_scoped3A = tpu.sem_alloc : memref<!tpu.dma_semaphore, #tpu.memory_space<semaphore_mem>>
            %dma_start3A_351 = arith.constant 0 : i32
            %dma_start3A_352 = tpu.memref_slice %arg19[%while3A_316, %dma_start3A_351] : memref<64x32xi32, #tpu.memory_space<vmem>> -> memref<1x32xi32, #tpu.memory_space<vmem>>
            %dma_start3A_353 = tpu.memref_squeeze %dma_start3A_352 : memref<1x32xi32, #tpu.memory_space<vmem>> -> memref<32xi32, #tpu.memory_space<vmem>>
            %dma_start3A_354 = arith.constant 0 : i32
            %dma_start3A_355 = arith.constant 0 : i32
            %dma_start3A_356 = tpu.memref_slice %arg16[%dma_start3A_354, %dma_start3A_355] : memref<3200x16xf32, #tpu.memory_space<vmem_shared>> -> memref<3200x16xf32, #tpu.memory_space<vmem_shared>>
            tpu.enqueue_indirect_dma source(%arg23 : memref<32x16xf32, #tpu.memory_space<vmem>>) target(%dma_start3A_356 : memref<3200x16xf32, #tpu.memory_space<vmem_shared>>) offsets(%dma_start3A_353 : memref<32xi32, #tpu.memory_space<vmem>>) semaphore(%run_scoped3A : memref<!tpu.dma_semaphore, #tpu.memory_space<semaphore_mem>>) {add = true}
            %dma_wait3A_357 = arith.constant 0 : i32
            %dma_wait3A_358 = tpu.memref_slice %arg19[%while3A_316, %dma_wait3A_357] : memref<64x32xi32, #tpu.memory_space<vmem>> -> memref<1x32xi32, #tpu.memory_space<vmem>>
            %dma_wait3A_359 = tpu.memref_squeeze %dma_wait3A_358 : memref<1x32xi32, #tpu.memory_space<vmem>> -> memref<32xi32, #tpu.memory_space<vmem>>
            %dma_wait3A_360 = arith.constant 0 : i32
            %dma_wait3A_361 = arith.constant 0 : i32
            %dma_wait3A_362 = tpu.memref_slice %arg16[%dma_wait3A_360, %dma_wait3A_361] : memref<3200x16xf32, #tpu.memory_space<vmem_shared>> -> memref<3200x16xf32, #tpu.memory_space<vmem_shared>>
            tpu.wait_indirect_dma semaphore(%run_scoped3A : memref<!tpu.dma_semaphore, #tpu.memory_space<semaphore_mem>>) src(%arg23 : memref<32x16xf32, #tpu.memory_space<vmem>>) dst(%dma_wait3A_362 : memref<3200x16xf32, #tpu.memory_space<vmem_shared>>)
            tpu.yield
          }) : () -> ()
          %dma_wait3A = arith.constant 0 : i32
          %dma_wait3A_334 = tpu.memref_slice %arg18[%while3A_316, %dma_wait3A] : memref<64x32xi32, #tpu.memory_space<vmem>> -> memref<1x32xi32, #tpu.memory_space<vmem>>
          %dma_wait3A_335 = tpu.memref_squeeze %dma_wait3A_334 : memref<1x32xi32, #tpu.memory_space<vmem>> -> memref<32xi32, #tpu.memory_space<vmem>>
          %dma_wait3A_336 = arith.constant 0 : i32
          %dma_wait3A_337 = arith.constant 0 : i32
          %dma_wait3A_338 = tpu.memref_slice %arg2[%dma_wait3A_336, %dma_wait3A_337] : memref<10000x128xf32, #tpu.memory_space<hbm>> -> memref<10000x128xf32, #tpu.memory_space<hbm>>
          tpu.wait_indirect_dma semaphore(%arg24 : memref<!tpu.dma_semaphore, #tpu.memory_space<semaphore_mem>>) src(%dma_wait3A_338 : memref<10000x128xf32, #tpu.memory_space<hbm>>) dst(%arg20 : memref<32x128xf32, #tpu.memory_space<vmem>>)
          %dma_wait3A_339 = arith.constant 0 : i32
          %dma_wait3A_340 = tpu.memref_slice %arg18[%while3A_316, %dma_wait3A_339] : memref<64x32xi32, #tpu.memory_space<vmem>> -> memref<1x32xi32, #tpu.memory_space<vmem>>
          %dma_wait3A_341 = tpu.memref_squeeze %dma_wait3A_340 : memref<1x32xi32, #tpu.memory_space<vmem>> -> memref<32xi32, #tpu.memory_space<vmem>>
          %dma_wait3A_342 = arith.constant 0 : i32
          %dma_wait3A_343 = arith.constant 0 : i32
          %dma_wait3A_344 = tpu.memref_slice %arg3[%dma_wait3A_342, %dma_wait3A_343] : memref<10000x128xf32, #tpu.memory_space<hbm>> -> memref<10000x128xf32, #tpu.memory_space<hbm>>
          tpu.wait_indirect_dma semaphore(%arg24 : memref<!tpu.dma_semaphore, #tpu.memory_space<semaphore_mem>>) src(%dma_wait3A_344 : memref<10000x128xf32, #tpu.memory_space<hbm>>) dst(%arg21 : memref<32x128xf32, #tpu.memory_space<vmem>>)
          %dma_wait3A_345 = arith.constant 0 : i32
          %dma_wait3A_346 = tpu.memref_slice %arg18[%while3A_316, %dma_wait3A_345] : memref<64x32xi32, #tpu.memory_space<vmem>> -> memref<1x32xi32, #tpu.memory_space<vmem>>
          %dma_wait3A_347 = tpu.memref_squeeze %dma_wait3A_346 : memref<1x32xi32, #tpu.memory_space<vmem>> -> memref<32xi32, #tpu.memory_space<vmem>>
          %dma_wait3A_348 = arith.constant 0 : i32
          %dma_wait3A_349 = arith.constant 0 : i32
          %dma_wait3A_350 = tpu.memref_slice %arg4[%dma_wait3A_348, %dma_wait3A_349] : memref<10000x128xf32, #tpu.memory_space<hbm>> -> memref<10000x128xf32, #tpu.memory_space<hbm>>
          tpu.wait_indirect_dma semaphore(%arg24 : memref<!tpu.dma_semaphore, #tpu.memory_space<semaphore_mem>>) src(%dma_wait3A_350 : memref<10000x128xf32, #tpu.memory_space<hbm>>) dst(%arg22 : memref<32x128xf32, #tpu.memory_space<vmem>>)
          "tpu.region"() ({
            %run_scoped3A = tpu.sem_alloc : memref<!tpu.dma_semaphore, #tpu.memory_space<semaphore_mem>>
            %dma_start3A_351 = arith.constant 0 : i32
            %dma_start3A_352 = tpu.memref_slice %arg19[%while3A_316, %dma_start3A_351] : memref<64x32xi32, #tpu.memory_space<vmem>> -> memref<1x32xi32, #tpu.memory_space<vmem>>
            %dma_start3A_353 = tpu.memref_squeeze %dma_start3A_352 : memref<1x32xi32, #tpu.memory_space<vmem>> -> memref<32xi32, #tpu.memory_space<vmem>>
            %dma_start3A_354 = arith.constant 0 : i32
            %dma_start3A_355 = arith.constant 0 : i32
            %dma_start3A_356 = tpu.memref_slice %arg13[%dma_start3A_354, %dma_start3A_355] : memref<3200x128xf32, #tpu.memory_space<vmem_shared>> -> memref<3200x128xf32, #tpu.memory_space<vmem_shared>>
            tpu.enqueue_indirect_dma source(%arg20 : memref<32x128xf32, #tpu.memory_space<vmem>>) target(%dma_start3A_356 : memref<3200x128xf32, #tpu.memory_space<vmem_shared>>) offsets(%dma_start3A_353 : memref<32xi32, #tpu.memory_space<vmem>>) semaphore(%run_scoped3A : memref<!tpu.dma_semaphore, #tpu.memory_space<semaphore_mem>>) {add = true}
            %dma_wait3A_357 = arith.constant 0 : i32
            %dma_wait3A_358 = tpu.memref_slice %arg19[%while3A_316, %dma_wait3A_357] : memref<64x32xi32, #tpu.memory_space<vmem>> -> memref<1x32xi32, #tpu.memory_space<vmem>>
            %dma_wait3A_359 = tpu.memref_squeeze %dma_wait3A_358 : memref<1x32xi32, #tpu.memory_space<vmem>> -> memref<32xi32, #tpu.memory_space<vmem>>
            %dma_wait3A_360 = arith.constant 0 : i32
            %dma_wait3A_361 = arith.constant 0 : i32
            %dma_wait3A_362 = tpu.memref_slice %arg13[%dma_wait3A_360, %dma_wait3A_361] : memref<3200x128xf32, #tpu.memory_space<vmem_shared>> -> memref<3200x128xf32, #tpu.memory_space<vmem_shared>>
            tpu.wait_indirect_dma semaphore(%run_scoped3A : memref<!tpu.dma_semaphore, #tpu.memory_space<semaphore_mem>>) src(%arg20 : memref<32x128xf32, #tpu.memory_space<vmem>>) dst(%dma_wait3A_362 : memref<3200x128xf32, #tpu.memory_space<vmem_shared>>)
            tpu.yield
          }) : () -> ()
          "tpu.region"() ({
            %run_scoped3A = tpu.sem_alloc : memref<!tpu.dma_semaphore, #tpu.memory_space<semaphore_mem>>
            %dma_start3A_351 = arith.constant 0 : i32
            %dma_start3A_352 = tpu.memref_slice %arg19[%while3A_316, %dma_start3A_351] : memref<64x32xi32, #tpu.memory_space<vmem>> -> memref<1x32xi32, #tpu.memory_space<vmem>>
            %dma_start3A_353 = tpu.memref_squeeze %dma_start3A_352 : memref<1x32xi32, #tpu.memory_space<vmem>> -> memref<32xi32, #tpu.memory_space<vmem>>
            %dma_start3A_354 = arith.constant 0 : i32
            %dma_start3A_355 = arith.constant 0 : i32
            %dma_start3A_356 = tpu.memref_slice %arg14[%dma_start3A_354, %dma_start3A_355] : memref<3200x128xf32, #tpu.memory_space<vmem_shared>> -> memref<3200x128xf32, #tpu.memory_space<vmem_shared>>
            tpu.enqueue_indirect_dma source(%arg21 : memref<32x128xf32, #tpu.memory_space<vmem>>) target(%dma_start3A_356 : memref<3200x128xf32, #tpu.memory_space<vmem_shared>>) offsets(%dma_start3A_353 : memref<32xi32, #tpu.memory_space<vmem>>) semaphore(%run_scoped3A : memref<!tpu.dma_semaphore, #tpu.memory_space<semaphore_mem>>) {add = true}
            %dma_wait3A_357 = arith.constant 0 : i32
            %dma_wait3A_358 = tpu.memref_slice %arg19[%while3A_316, %dma_wait3A_357] : memref<64x32xi32, #tpu.memory_space<vmem>> -> memref<1x32xi32, #tpu.memory_space<vmem>>
            %dma_wait3A_359 = tpu.memref_squeeze %dma_wait3A_358 : memref<1x32xi32, #tpu.memory_space<vmem>> -> memref<32xi32, #tpu.memory_space<vmem>>
            %dma_wait3A_360 = arith.constant 0 : i32
            %dma_wait3A_361 = arith.constant 0 : i32
            %dma_wait3A_362 = tpu.memref_slice %arg14[%dma_wait3A_360, %dma_wait3A_361] : memref<3200x128xf32, #tpu.memory_space<vmem_shared>> -> memref<3200x128xf32, #tpu.memory_space<vmem_shared>>
            tpu.wait_indirect_dma semaphore(%run_scoped3A : memref<!tpu.dma_semaphore, #tpu.memory_space<semaphore_mem>>) src(%arg21 : memref<32x128xf32, #tpu.memory_space<vmem>>) dst(%dma_wait3A_362 : memref<3200x128xf32, #tpu.memory_space<vmem_shared>>)
            tpu.yield
          }) : () -> ()
          "tpu.region"() ({
            %run_scoped3A = tpu.sem_alloc : memref<!tpu.dma_semaphore, #tpu.memory_space<semaphore_mem>>
            %dma_start3A_351 = arith.constant 0 : i32
            %dma_start3A_352 = tpu.memref_slice %arg19[%while3A_316, %dma_start3A_351] : memref<64x32xi32, #tpu.memory_space<vmem>> -> memref<1x32xi32, #tpu.memory_space<vmem>>
            %dma_start3A_353 = tpu.memref_squeeze %dma_start3A_352 : memref<1x32xi32, #tpu.memory_space<vmem>> -> memref<32xi32, #tpu.memory_space<vmem>>
            %dma_start3A_354 = arith.constant 0 : i32
            %dma_start3A_355 = arith.constant 0 : i32
            %dma_start3A_356 = tpu.memref_slice %arg15[%dma_start3A_354, %dma_start3A_355] : memref<3200x128xf32, #tpu.memory_space<vmem_shared>> -> memref<3200x128xf32, #tpu.memory_space<vmem_shared>>
            tpu.enqueue_indirect_dma source(%arg22 : memref<32x128xf32, #tpu.memory_space<vmem>>) target(%dma_start3A_356 : memref<3200x128xf32, #tpu.memory_space<vmem_shared>>) offsets(%dma_start3A_353 : memref<32xi32, #tpu.memory_space<vmem>>) semaphore(%run_scoped3A : memref<!tpu.dma_semaphore, #tpu.memory_space<semaphore_mem>>) {add = true}
            %dma_wait3A_357 = arith.constant 0 : i32
            %dma_wait3A_358 = tpu.memref_slice %arg19[%while3A_316, %dma_wait3A_357] : memref<64x32xi32, #tpu.memory_space<vmem>> -> memref<1x32xi32, #tpu.memory_space<vmem>>
            %dma_wait3A_359 = tpu.memref_squeeze %dma_wait3A_358 : memref<1x32xi32, #tpu.memory_space<vmem>> -> memref<32xi32, #tpu.memory_space<vmem>>
            %dma_wait3A_360 = arith.constant 0 : i32
            %dma_wait3A_361 = arith.constant 0 : i32
            %dma_wait3A_362 = tpu.memref_slice %arg15[%dma_wait3A_360, %dma_wait3A_361] : memref<3200x128xf32, #tpu.memory_space<vmem_shared>> -> memref<3200x128xf32, #tpu.memory_space<vmem_shared>>
            tpu.wait_indirect_dma semaphore(%run_scoped3A : memref<!tpu.dma_semaphore, #tpu.memory_space<semaphore_mem>>) src(%arg22 : memref<32x128xf32, #tpu.memory_space<vmem>>) dst(%dma_wait3A_362 : memref<3200x128xf32, #tpu.memory_space<vmem_shared>>)
            tpu.yield
          }) : () -> ()
        }
      }
      %scan3A_24 = arith.constant 5 : i32
      %barrier3A_25 = arith.constant 0 : index
      tpu.barrier barrier_id(%barrier3A_25)
      %mul3A_26 = arith.constant 192 : i32
      %mul3A_27 = arith.muli %arg1, %mul3A_26 : i32
      %mul3A_28 = arith.constant 192 : i32
      %mul3A_29 = arith.muli %arg1, %mul3A_28 : i32
      "tpu.region"() ({
        %run_scoped3A = tpu.sem_alloc : memref<!tpu.dma_semaphore, #tpu.memory_space<semaphore_mem>>
        %dma_start3A = arith.constant 0 : i32
        %dma_start3A_43 = tpu.memref_slice %arg9[%add3A_8, %mul3A_29, %dma_start3A] : memref<40x3072x128xf32, #tpu.memory_space<hbm>> -> memref<1x192x128xf32, #tpu.memory_space<hbm>>
        %dma_start3A_44 = tpu.memref_squeeze %dma_start3A_43 : memref<1x192x128xf32, #tpu.memory_space<hbm>> -> memref<192x128xf32, #tpu.memory_space<hbm>>
        %dma_start3A_45 = arith.constant 0 : i32
        %dma_start3A_46 = tpu.memref_slice %arg13[%mul3A_27, %dma_start3A_45] : memref<3200x128xf32, #tpu.memory_space<vmem_shared>> -> memref<192x128xf32, #tpu.memory_space<vmem_shared>>
        tpu.enqueue_dma source(%dma_start3A_46 : memref<192x128xf32, #tpu.memory_space<vmem_shared>>) target(%dma_start3A_44 : memref<192x128xf32, #tpu.memory_space<hbm>>) target_semaphore(%run_scoped3A : memref<!tpu.dma_semaphore, #tpu.memory_space<semaphore_mem>>)
        %dma_wait3A = arith.constant 0 : i32
        %dma_wait3A_47 = tpu.memref_slice %arg9[%add3A_8, %mul3A_29, %dma_wait3A] : memref<40x3072x128xf32, #tpu.memory_space<hbm>> -> memref<1x192x128xf32, #tpu.memory_space<hbm>>
        %dma_wait3A_48 = tpu.memref_squeeze %dma_wait3A_47 : memref<1x192x128xf32, #tpu.memory_space<hbm>> -> memref<192x128xf32, #tpu.memory_space<hbm>>
        %dma_wait3A_49 = arith.constant 0 : i32
        %dma_wait3A_50 = tpu.memref_slice %arg13[%mul3A_27, %dma_wait3A_49] : memref<3200x128xf32, #tpu.memory_space<vmem_shared>> -> memref<192x128xf32, #tpu.memory_space<vmem_shared>>
        tpu.wait_dma2 semaphore(%run_scoped3A : memref<!tpu.dma_semaphore, #tpu.memory_space<semaphore_mem>>) src(%dma_wait3A_50 : memref<192x128xf32, #tpu.memory_space<vmem_shared>>) dst(%dma_wait3A_48 : memref<192x128xf32, #tpu.memory_space<hbm>>)
        tpu.yield
      }) : () -> ()
      %mul3A_30 = arith.constant 192 : i32
      %mul3A_31 = arith.muli %arg1, %mul3A_30 : i32
      %mul3A_32 = arith.constant 192 : i32
      %mul3A_33 = arith.muli %arg1, %mul3A_32 : i32
      "tpu.region"() ({
        %run_scoped3A = tpu.sem_alloc : memref<!tpu.dma_semaphore, #tpu.memory_space<semaphore_mem>>
        %dma_start3A = arith.constant 0 : i32
        %dma_start3A_43 = tpu.memref_slice %arg10[%add3A_8, %mul3A_33, %dma_start3A] : memref<40x3072x128xf32, #tpu.memory_space<hbm>> -> memref<1x192x128xf32, #tpu.memory_space<hbm>>
        %dma_start3A_44 = tpu.memref_squeeze %dma_start3A_43 : memref<1x192x128xf32, #tpu.memory_space<hbm>> -> memref<192x128xf32, #tpu.memory_space<hbm>>
        %dma_start3A_45 = arith.constant 0 : i32
        %dma_start3A_46 = tpu.memref_slice %arg14[%mul3A_31, %dma_start3A_45] : memref<3200x128xf32, #tpu.memory_space<vmem_shared>> -> memref<192x128xf32, #tpu.memory_space<vmem_shared>>
        tpu.enqueue_dma source(%dma_start3A_46 : memref<192x128xf32, #tpu.memory_space<vmem_shared>>) target(%dma_start3A_44 : memref<192x128xf32, #tpu.memory_space<hbm>>) target_semaphore(%run_scoped3A : memref<!tpu.dma_semaphore, #tpu.memory_space<semaphore_mem>>)
        %dma_wait3A = arith.constant 0 : i32
        %dma_wait3A_47 = tpu.memref_slice %arg10[%add3A_8, %mul3A_33, %dma_wait3A] : memref<40x3072x128xf32, #tpu.memory_space<hbm>> -> memref<1x192x128xf32, #tpu.memory_space<hbm>>
        %dma_wait3A_48 = tpu.memref_squeeze %dma_wait3A_47 : memref<1x192x128xf32, #tpu.memory_space<hbm>> -> memref<192x128xf32, #tpu.memory_space<hbm>>
        %dma_wait3A_49 = arith.constant 0 : i32
        %dma_wait3A_50 = tpu.memref_slice %arg14[%mul3A_31, %dma_wait3A_49] : memref<3200x128xf32, #tpu.memory_space<vmem_shared>> -> memref<192x128xf32, #tpu.memory_space<vmem_shared>>
        tpu.wait_dma2 semaphore(%run_scoped3A : memref<!tpu.dma_semaphore, #tpu.memory_space<semaphore_mem>>) src(%dma_wait3A_50 : memref<192x128xf32, #tpu.memory_space<vmem_shared>>) dst(%dma_wait3A_48 : memref<192x128xf32, #tpu.memory_space<hbm>>)
        tpu.yield
      }) : () -> ()
      %mul3A_34 = arith.constant 192 : i32
      %mul3A_35 = arith.muli %arg1, %mul3A_34 : i32
      %mul3A_36 = arith.constant 192 : i32
      %mul3A_37 = arith.muli %arg1, %mul3A_36 : i32
      "tpu.region"() ({
        %run_scoped3A = tpu.sem_alloc : memref<!tpu.dma_semaphore, #tpu.memory_space<semaphore_mem>>
        %dma_start3A = arith.constant 0 : i32
        %dma_start3A_43 = tpu.memref_slice %arg11[%add3A_8, %mul3A_37, %dma_start3A] : memref<40x3072x128xf32, #tpu.memory_space<hbm>> -> memref<1x192x128xf32, #tpu.memory_space<hbm>>
        %dma_start3A_44 = tpu.memref_squeeze %dma_start3A_43 : memref<1x192x128xf32, #tpu.memory_space<hbm>> -> memref<192x128xf32, #tpu.memory_space<hbm>>
        %dma_start3A_45 = arith.constant 0 : i32
        %dma_start3A_46 = tpu.memref_slice %arg15[%mul3A_35, %dma_start3A_45] : memref<3200x128xf32, #tpu.memory_space<vmem_shared>> -> memref<192x128xf32, #tpu.memory_space<vmem_shared>>
        tpu.enqueue_dma source(%dma_start3A_46 : memref<192x128xf32, #tpu.memory_space<vmem_shared>>) target(%dma_start3A_44 : memref<192x128xf32, #tpu.memory_space<hbm>>) target_semaphore(%run_scoped3A : memref<!tpu.dma_semaphore, #tpu.memory_space<semaphore_mem>>)
        %dma_wait3A = arith.constant 0 : i32
        %dma_wait3A_47 = tpu.memref_slice %arg11[%add3A_8, %mul3A_37, %dma_wait3A] : memref<40x3072x128xf32, #tpu.memory_space<hbm>> -> memref<1x192x128xf32, #tpu.memory_space<hbm>>
        %dma_wait3A_48 = tpu.memref_squeeze %dma_wait3A_47 : memref<1x192x128xf32, #tpu.memory_space<hbm>> -> memref<192x128xf32, #tpu.memory_space<hbm>>
        %dma_wait3A_49 = arith.constant 0 : i32
        %dma_wait3A_50 = tpu.memref_slice %arg15[%mul3A_35, %dma_wait3A_49] : memref<3200x128xf32, #tpu.memory_space<vmem_shared>> -> memref<192x128xf32, #tpu.memory_space<vmem_shared>>
        tpu.wait_dma2 semaphore(%run_scoped3A : memref<!tpu.dma_semaphore, #tpu.memory_space<semaphore_mem>>) src(%dma_wait3A_50 : memref<192x128xf32, #tpu.memory_space<vmem_shared>>) dst(%dma_wait3A_48 : memref<192x128xf32, #tpu.memory_space<hbm>>)
        tpu.yield
      }) : () -> ()
      %mul3A_38 = arith.constant 192 : i32
      %mul3A_39 = arith.muli %arg1, %mul3A_38 : i32
      %mul3A_40 = arith.constant 192 : i32
      %mul3A_41 = arith.muli %arg1, %mul3A_40 : i32
      "tpu.region"() ({
        %run_scoped3A = tpu.sem_alloc : memref<!tpu.dma_semaphore, #tpu.memory_space<semaphore_mem>>
        %dma_start3A = arith.constant 0 : i32
        %dma_start3A_43 = tpu.memref_slice %arg12[%add3A_8, %mul3A_41, %dma_start3A] : memref<40x3072x16xf32, #tpu.memory_space<hbm>> -> memref<1x192x16xf32, #tpu.memory_space<hbm>>
        %dma_start3A_44 = tpu.memref_squeeze %dma_start3A_43 : memref<1x192x16xf32, #tpu.memory_space<hbm>> -> memref<192x16xf32, #tpu.memory_space<hbm>>
        %dma_start3A_45 = arith.constant 0 : i32
        %dma_start3A_46 = tpu.memref_slice %arg16[%mul3A_39, %dma_start3A_45] : memref<3200x16xf32, #tpu.memory_space<vmem_shared>> -> memref<192x16xf32, #tpu.memory_space<vmem_shared>>
        tpu.enqueue_dma source(%dma_start3A_46 : memref<192x16xf32, #tpu.memory_space<vmem_shared>>) target(%dma_start3A_44 : memref<192x16xf32, #tpu.memory_space<hbm>>) target_semaphore(%run_scoped3A : memref<!tpu.dma_semaphore, #tpu.memory_space<semaphore_mem>>)
        %dma_wait3A = arith.constant 0 : i32
        %dma_wait3A_47 = tpu.memref_slice %arg12[%add3A_8, %mul3A_41, %dma_wait3A] : memref<40x3072x16xf32, #tpu.memory_space<hbm>> -> memref<1x192x16xf32, #tpu.memory_space<hbm>>
        %dma_wait3A_48 = tpu.memref_squeeze %dma_wait3A_47 : memref<1x192x16xf32, #tpu.memory_space<hbm>> -> memref<192x16xf32, #tpu.memory_space<hbm>>
        %dma_wait3A_49 = arith.constant 0 : i32
        %dma_wait3A_50 = tpu.memref_slice %arg16[%mul3A_39, %dma_wait3A_49] : memref<3200x16xf32, #tpu.memory_space<vmem_shared>> -> memref<192x16xf32, #tpu.memory_space<vmem_shared>>
        tpu.wait_dma2 semaphore(%run_scoped3A : memref<!tpu.dma_semaphore, #tpu.memory_space<semaphore_mem>>) src(%dma_wait3A_50 : memref<192x16xf32, #tpu.memory_space<vmem_shared>>) dst(%dma_wait3A_48 : memref<192x16xf32, #tpu.memory_space<hbm>>)
        tpu.yield
      }) : () -> ()
      %barrier3A_42 = arith.constant 0 : index
      tpu.barrier barrier_id(%barrier3A_42)
    }
    %scan3A_5 = arith.constant 20 : i32
    return
  }
}

module attributes {stable_mosaic.version = 14 : i64} {
  func.func @body(%arg0: memref<12x8xf32, #tpu.memory_space<vmem>>, %arg1: memref<8x147456xf32, #tpu.memory_space<vmem>>, %arg2: memref<12x147456xf32, #tpu.memory_space<vmem>>) attributes {dimension_semantics = [], scalar_prefetch = 0 : i64, scratch_operands = 0 : i64, tpu.core_type = #tpu.core_type<tc>} {
    %get3A = arith.constant 0 : index
    %get3A_0 = arith.constant 0 : index
    %get3A_1 = vector.load %arg0[%get3A, %get3A_0] : memref<12x8xf32, #tpu.memory_space<vmem>>, vector<12x8xf32>
    %get3A_2 = arith.constant 0 : index
    %get3A_3 = arith.constant 0 : index
    %get3A_4 = vector.load %arg1[%get3A_2, %get3A_3] : memref<8x147456xf32, #tpu.memory_space<vmem>>, vector<8x147456xf32>
    %dot_general3A = arith.constant dense<0.000000e+00> : vector<12x147456xf32>
    %dot_general3A_5 = tpu.matmul %get3A_1, %get3A_4, %dot_general3A {dimension_numbers = #tpu.dot_dimension_numbers<[1], [0], [0], [1], [0, 0, 1, 1], [], []>, transpose_lhs_hint = false} : vector<12x8xf32>, vector<8x147456xf32>, vector<12x147456xf32> -> vector<12x147456xf32>
    %swap3A = arith.constant 0 : index
    %swap3A_6 = arith.constant 0 : index
    %swap3A_7 = vector.load %arg2[%swap3A, %swap3A_6] : memref<12x147456xf32, #tpu.memory_space<vmem>>, vector<12x147456xf32>
    tpu.vector_store %arg2[%swap3A, %swap3A_6], %dot_general3A_5 {strides = array<i32>} : memref<12x147456xf32, #tpu.memory_space<vmem>>, vector<12x147456xf32>,
    return
  }
}

module attributes {stable_mosaic.version = 14 : i64} {
  func.func @body(%arg0: i32, %arg1: memref<256x384xf32, #tpu.memory_space<vmem>>, %arg2: memref<1x3072x128xf32, #tpu.memory_space<vmem>>, %arg3: memref<1x3072x128xf32, #tpu.memory_space<vmem>>, %arg4: memref<1x3072x128xf32, #tpu.memory_space<vmem>>, %arg5: memref<1x3072x16xf32, #tpu.memory_space<vmem>>, %arg6: memref<13x384x384xf32, #tpu.memory_space<vmem>>, %arg7: memref<1x384xf32, #tpu.memory_space<vmem>>, %arg8: memref<384x192xf32, #tpu.memory_space<vmem>>, %arg9: memref<1x192xf32, #tpu.memory_space<vmem>>, %arg10: memref<192x384xf32, #tpu.memory_space<vmem>>, %arg11: memref<1x384xf32, #tpu.memory_space<vmem>>, %arg12: memref<384x768xf32, #tpu.memory_space<vmem>>, %arg13: memref<1x768xf32, #tpu.memory_space<vmem>>, %arg14: memref<256x768xf32, #tpu.memory_space<vmem>>) attributes {dimension_semantics = [#tpu.dimension_semantics<arbitrary>], iteration_bounds = array<i64: 40>, scalar_prefetch = 0 : i64, scratch_operands = 0 : i64, tpu.core_type = #tpu.core_type<tc>, window_params = [{transform_indices = @transform_0, window_bounds = array<i64: 256, 384>}, {transform_indices = @transform_1, window_bounds = array<i64: 1, 3072, 128>}, {transform_indices = @transform_2, window_bounds = array<i64: 1, 3072, 128>}, {transform_indices = @transform_3, window_bounds = array<i64: 1, 3072, 128>}, {transform_indices = @transform_4, window_bounds = array<i64: 1, 3072, 16>}, {pipeline_mode = #tpu.pipeline_mode<synchronous>, transform_indices = @transform_5, window_bounds = array<i64: 13, 384, 384>}, {pipeline_mode = #tpu.pipeline_mode<synchronous>, transform_indices = @transform_6, window_bounds = array<i64: 1, 384>}, {pipeline_mode = #tpu.pipeline_mode<synchronous>, transform_indices = @transform_7, window_bounds = array<i64: 384, 192>}, {pipeline_mode = #tpu.pipeline_mode<synchronous>, transform_indices = @transform_8, window_bounds = array<i64: 1, 192>}, {pipeline_mode = #tpu.pipeline_mode<synchronous>, transform_indices = @transform_9, window_bounds = array<i64: 192, 384>}, {pipeline_mode = #tpu.pipeline_mode<synchronous>, transform_indices = @transform_10, window_bounds = array<i64: 1, 384>}, {pipeline_mode = #tpu.pipeline_mode<synchronous>, transform_indices = @transform_11, window_bounds = array<i64: 384, 768>}, {pipeline_mode = #tpu.pipeline_mode<synchronous>, transform_indices = @transform_12, window_bounds = array<i64: 1, 768>}, {transform_indices = @transform_13, window_bounds = array<i64: 256, 768>}]} {
    %get3A = arith.constant 0 : index
    %get3A_0 = arith.constant 0 : index
    %get3A_1 = vector.load %arg1[%get3A, %get3A_0] : memref<256x384xf32, #tpu.memory_space<vmem>>, vector<256x384xf32>
    %get3A_2 = arith.constant 0 : index
    %get3A_3 = arith.constant 0 : index
    %get3A_4 = arith.constant 0 : index
    %get3A_5 = vector.load %arg5[%get3A_2, %get3A_3, %get3A_4] : memref<1x3072x16xf32, #tpu.memory_space<vmem>>, vector<1x3072x1xf32>
    %get3A_6 = vector.shape_cast %get3A_5 : vector<1x3072x1xf32> to vector<3072x1xf32>
    %jit3A = arith.constant 1.000000e+00 : f32
    %max3A = vector.broadcast %jit3A : f32 to vector<3072x1xf32>
    %max3A_7 = arith.maximumf %max3A, %get3A_6 : vector<3072x1xf32>
    %get3A_8 = arith.constant 0 : index
    %get3A_9 = arith.constant 0 : index
    %get3A_10 = arith.constant 0 : index
    %get3A_11 = vector.load %arg2[%get3A_8, %get3A_9, %get3A_10] : memref<1x3072x128xf32, #tpu.memory_space<vmem>>, vector<1x3072x128xf32>
    %get3A_12 = vector.shape_cast %get3A_11 : vector<1x3072x128xf32> to vector<3072x128xf32>
    %get3A_13 = arith.constant 0 : index
    %get3A_14 = arith.constant 0 : index
    %get3A_15 = arith.constant 0 : index
    %get3A_16 = vector.load %arg3[%get3A_13, %get3A_14, %get3A_15] : memref<1x3072x128xf32, #tpu.memory_space<vmem>>, vector<1x3072x128xf32>
    %get3A_17 = vector.shape_cast %get3A_16 : vector<1x3072x128xf32> to vector<3072x128xf32>
    %get3A_18 = arith.constant 0 : index
    %get3A_19 = arith.constant 0 : index
    %get3A_20 = arith.constant 0 : index
    %get3A_21 = vector.load %arg4[%get3A_18, %get3A_19, %get3A_20] : memref<1x3072x128xf32, #tpu.memory_space<vmem>>, vector<1x3072x128xf32>
    %get3A_22 = vector.shape_cast %get3A_21 : vector<1x3072x128xf32> to vector<3072x128xf32>
    %concatenate3A = tpu.concatenate %get3A_12, %get3A_17, %get3A_22 in 1 : vector<3072x128xf32>, vector<3072x128xf32>, vector<3072x128xf32> -> vector<3072x384xf32>
    %div3A = vector.broadcast %max3A_7 : vector<3072x1xf32> to vector<3072x384xf32>
    %div3A_23 = arith.divf %concatenate3A, %div3A : vector<3072x384xf32>
    %get3A_24 = arith.constant 0 : index
    %get3A_25 = arith.constant 0 : index
    %get3A_26 = arith.constant 0 : index
    %get3A_27 = vector.load %arg6[%get3A_24, %get3A_25, %get3A_26] : memref<13x384x384xf32, #tpu.memory_space<vmem>>, vector<1x384x384xf32>
    %get3A_28 = vector.shape_cast %get3A_27 : vector<1x384x384xf32> to vector<384x384xf32>
    %dot_general3A = arith.constant dense<0.000000e+00> : vector<256x384xf32>
    %dot_general3A_29 = tpu.matmul %get3A_1, %get3A_28, %dot_general3A {dimension_numbers = #tpu.dot_dimension_numbers<[1], [0], [0], [1], [0, 0, 1, 1], [], []>, transpose_lhs_hint = false} : vector<256x384xf32>, vector<384x384xf32>, vector<256x384xf32> -> vector<256x384xf32>
    %get3A_30 = arith.constant 0 : index
    %get3A_31 = arith.constant 0 : index
    %get3A_32 = vector.load %arg7[%get3A_30, %get3A_31] : memref<1x384xf32, #tpu.memory_space<vmem>>, vector<1x384xf32>
    %add3A = vector.broadcast %get3A_32 : vector<1x384xf32> to vector<256x384xf32>
    %add3A_33 = arith.addf %dot_general3A_29, %add3A : vector<256x384xf32>
    %add3A_34 = arith.addf %add3A_33, %get3A_1 : vector<256x384xf32>
    %slice3A = vector.extract_strided_slice %div3A_23 {offsets = [0, 0], sizes = [256, 384], strides = [1, 1]} : vector<3072x384xf32> to vector<256x384xf32>
    %get3A_35 = arith.constant 1 : index
    %get3A_36 = arith.constant 0 : index
    %get3A_37 = arith.constant 0 : index
    %get3A_38 = vector.load %arg6[%get3A_35, %get3A_36, %get3A_37] : memref<13x384x384xf32, #tpu.memory_space<vmem>>, vector<1x384x384xf32>
    %get3A_39 = vector.shape_cast %get3A_38 : vector<1x384x384xf32> to vector<384x384xf32>
    %dot_general3A_40 = arith.constant dense<0.000000e+00> : vector<256x384xf32>
    %dot_general3A_41 = tpu.matmul %slice3A, %get3A_39, %dot_general3A_40 {dimension_numbers = #tpu.dot_dimension_numbers<[1], [0], [0], [1], [0, 0, 1, 1], [], []>, transpose_lhs_hint = false} : vector<256x384xf32>, vector<384x384xf32>, vector<256x384xf32> -> vector<256x384xf32>
    %add3A_42 = arith.addf %add3A_34, %dot_general3A_41 : vector<256x384xf32>
    %slice3A_43 = vector.extract_strided_slice %div3A_23 {offsets = [256, 0], sizes = [256, 384], strides = [1, 1]} : vector<3072x384xf32> to vector<256x384xf32>
    %get3A_44 = arith.constant 2 : index
    %get3A_45 = arith.constant 0 : index
    %get3A_46 = arith.constant 0 : index
    %get3A_47 = vector.load %arg6[%get3A_44, %get3A_45, %get3A_46] : memref<13x384x384xf32, #tpu.memory_space<vmem>>, vector<1x384x384xf32>
    %get3A_48 = vector.shape_cast %get3A_47 : vector<1x384x384xf32> to vector<384x384xf32>
    %dot_general3A_49 = arith.constant dense<0.000000e+00> : vector<256x384xf32>
    %dot_general3A_50 = tpu.matmul %slice3A_43, %get3A_48, %dot_general3A_49 {dimension_numbers = #tpu.dot_dimension_numbers<[1], [0], [0], [1], [0, 0, 1, 1], [], []>, transpose_lhs_hint = false} : vector<256x384xf32>, vector<384x384xf32>, vector<256x384xf32> -> vector<256x384xf32>
    %add3A_51 = arith.addf %add3A_42, %dot_general3A_50 : vector<256x384xf32>
    %slice3A_52 = vector.extract_strided_slice %div3A_23 {offsets = [512, 0], sizes = [256, 384], strides = [1, 1]} : vector<3072x384xf32> to vector<256x384xf32>
    %get3A_53 = arith.constant 3 : index
    %get3A_54 = arith.constant 0 : index
    %get3A_55 = arith.constant 0 : index
    %get3A_56 = vector.load %arg6[%get3A_53, %get3A_54, %get3A_55] : memref<13x384x384xf32, #tpu.memory_space<vmem>>, vector<1x384x384xf32>
    %get3A_57 = vector.shape_cast %get3A_56 : vector<1x384x384xf32> to vector<384x384xf32>
    %dot_general3A_58 = arith.constant dense<0.000000e+00> : vector<256x384xf32>
    %dot_general3A_59 = tpu.matmul %slice3A_52, %get3A_57, %dot_general3A_58 {dimension_numbers = #tpu.dot_dimension_numbers<[1], [0], [0], [1], [0, 0, 1, 1], [], []>, transpose_lhs_hint = false} : vector<256x384xf32>, vector<384x384xf32>, vector<256x384xf32> -> vector<256x384xf32>
    %add3A_60 = arith.addf %add3A_51, %dot_general3A_59 : vector<256x384xf32>
    %slice3A_61 = vector.extract_strided_slice %div3A_23 {offsets = [768, 0], sizes = [256, 384], strides = [1, 1]} : vector<3072x384xf32> to vector<256x384xf32>
    %get3A_62 = arith.constant 4 : index
    %get3A_63 = arith.constant 0 : index
    %get3A_64 = arith.constant 0 : index
    %get3A_65 = vector.load %arg6[%get3A_62, %get3A_63, %get3A_64] : memref<13x384x384xf32, #tpu.memory_space<vmem>>, vector<1x384x384xf32>
    %get3A_66 = vector.shape_cast %get3A_65 : vector<1x384x384xf32> to vector<384x384xf32>
    %dot_general3A_67 = arith.constant dense<0.000000e+00> : vector<256x384xf32>
    %dot_general3A_68 = tpu.matmul %slice3A_61, %get3A_66, %dot_general3A_67 {dimension_numbers = #tpu.dot_dimension_numbers<[1], [0], [0], [1], [0, 0, 1, 1], [], []>, transpose_lhs_hint = false} : vector<256x384xf32>, vector<384x384xf32>, vector<256x384xf32> -> vector<256x384xf32>
    %add3A_69 = arith.addf %add3A_60, %dot_general3A_68 : vector<256x384xf32>
    %slice3A_70 = vector.extract_strided_slice %div3A_23 {offsets = [1024, 0], sizes = [256, 384], strides = [1, 1]} : vector<3072x384xf32> to vector<256x384xf32>
    %get3A_71 = arith.constant 5 : index
    %get3A_72 = arith.constant 0 : index
    %get3A_73 = arith.constant 0 : index
    %get3A_74 = vector.load %arg6[%get3A_71, %get3A_72, %get3A_73] : memref<13x384x384xf32, #tpu.memory_space<vmem>>, vector<1x384x384xf32>
    %get3A_75 = vector.shape_cast %get3A_74 : vector<1x384x384xf32> to vector<384x384xf32>
    %dot_general3A_76 = arith.constant dense<0.000000e+00> : vector<256x384xf32>
    %dot_general3A_77 = tpu.matmul %slice3A_70, %get3A_75, %dot_general3A_76 {dimension_numbers = #tpu.dot_dimension_numbers<[1], [0], [0], [1], [0, 0, 1, 1], [], []>, transpose_lhs_hint = false} : vector<256x384xf32>, vector<384x384xf32>, vector<256x384xf32> -> vector<256x384xf32>
    %add3A_78 = arith.addf %add3A_69, %dot_general3A_77 : vector<256x384xf32>
    %slice3A_79 = vector.extract_strided_slice %div3A_23 {offsets = [1280, 0], sizes = [256, 384], strides = [1, 1]} : vector<3072x384xf32> to vector<256x384xf32>
    %get3A_80 = arith.constant 6 : index
    %get3A_81 = arith.constant 0 : index
    %get3A_82 = arith.constant 0 : index
    %get3A_83 = vector.load %arg6[%get3A_80, %get3A_81, %get3A_82] : memref<13x384x384xf32, #tpu.memory_space<vmem>>, vector<1x384x384xf32>
    %get3A_84 = vector.shape_cast %get3A_83 : vector<1x384x384xf32> to vector<384x384xf32>
    %dot_general3A_85 = arith.constant dense<0.000000e+00> : vector<256x384xf32>
    %dot_general3A_86 = tpu.matmul %slice3A_79, %get3A_84, %dot_general3A_85 {dimension_numbers = #tpu.dot_dimension_numbers<[1], [0], [0], [1], [0, 0, 1, 1], [], []>, transpose_lhs_hint = false} : vector<256x384xf32>, vector<384x384xf32>, vector<256x384xf32> -> vector<256x384xf32>
    %add3A_87 = arith.addf %add3A_78, %dot_general3A_86 : vector<256x384xf32>
    %slice3A_88 = vector.extract_strided_slice %div3A_23 {offsets = [1536, 0], sizes = [256, 384], strides = [1, 1]} : vector<3072x384xf32> to vector<256x384xf32>
    %get3A_89 = arith.constant 7 : index
    %get3A_90 = arith.constant 0 : index
    %get3A_91 = arith.constant 0 : index
    %get3A_92 = vector.load %arg6[%get3A_89, %get3A_90, %get3A_91] : memref<13x384x384xf32, #tpu.memory_space<vmem>>, vector<1x384x384xf32>
    %get3A_93 = vector.shape_cast %get3A_92 : vector<1x384x384xf32> to vector<384x384xf32>
    %dot_general3A_94 = arith.constant dense<0.000000e+00> : vector<256x384xf32>
    %dot_general3A_95 = tpu.matmul %slice3A_88, %get3A_93, %dot_general3A_94 {dimension_numbers = #tpu.dot_dimension_numbers<[1], [0], [0], [1], [0, 0, 1, 1], [], []>, transpose_lhs_hint = false} : vector<256x384xf32>, vector<384x384xf32>, vector<256x384xf32> -> vector<256x384xf32>
    %add3A_96 = arith.addf %add3A_87, %dot_general3A_95 : vector<256x384xf32>
    %slice3A_97 = vector.extract_strided_slice %div3A_23 {offsets = [1792, 0], sizes = [256, 384], strides = [1, 1]} : vector<3072x384xf32> to vector<256x384xf32>
    %get3A_98 = arith.constant 8 : index
    %get3A_99 = arith.constant 0 : index
    %get3A_100 = arith.constant 0 : index
    %get3A_101 = vector.load %arg6[%get3A_98, %get3A_99, %get3A_100] : memref<13x384x384xf32, #tpu.memory_space<vmem>>, vector<1x384x384xf32>
    %get3A_102 = vector.shape_cast %get3A_101 : vector<1x384x384xf32> to vector<384x384xf32>
    %dot_general3A_103 = arith.constant dense<0.000000e+00> : vector<256x384xf32>
    %dot_general3A_104 = tpu.matmul %slice3A_97, %get3A_102, %dot_general3A_103 {dimension_numbers = #tpu.dot_dimension_numbers<[1], [0], [0], [1], [0, 0, 1, 1], [], []>, transpose_lhs_hint = false} : vector<256x384xf32>, vector<384x384xf32>, vector<256x384xf32> -> vector<256x384xf32>
    %add3A_105 = arith.addf %add3A_96, %dot_general3A_104 : vector<256x384xf32>
    %slice3A_106 = vector.extract_strided_slice %div3A_23 {offsets = [2048, 0], sizes = [256, 384], strides = [1, 1]} : vector<3072x384xf32> to vector<256x384xf32>
    %get3A_107 = arith.constant 9 : index
    %get3A_108 = arith.constant 0 : index
    %get3A_109 = arith.constant 0 : index
    %get3A_110 = vector.load %arg6[%get3A_107, %get3A_108, %get3A_109] : memref<13x384x384xf32, #tpu.memory_space<vmem>>, vector<1x384x384xf32>
    %get3A_111 = vector.shape_cast %get3A_110 : vector<1x384x384xf32> to vector<384x384xf32>
    %dot_general3A_112 = arith.constant dense<0.000000e+00> : vector<256x384xf32>
    %dot_general3A_113 = tpu.matmul %slice3A_106, %get3A_111, %dot_general3A_112 {dimension_numbers = #tpu.dot_dimension_numbers<[1], [0], [0], [1], [0, 0, 1, 1], [], []>, transpose_lhs_hint = false} : vector<256x384xf32>, vector<384x384xf32>, vector<256x384xf32> -> vector<256x384xf32>
    %add3A_114 = arith.addf %add3A_105, %dot_general3A_113 : vector<256x384xf32>
    %slice3A_115 = vector.extract_strided_slice %div3A_23 {offsets = [2304, 0], sizes = [256, 384], strides = [1, 1]} : vector<3072x384xf32> to vector<256x384xf32>
    %get3A_116 = arith.constant 10 : index
    %get3A_117 = arith.constant 0 : index
    %get3A_118 = arith.constant 0 : index
    %get3A_119 = vector.load %arg6[%get3A_116, %get3A_117, %get3A_118] : memref<13x384x384xf32, #tpu.memory_space<vmem>>, vector<1x384x384xf32>
    %get3A_120 = vector.shape_cast %get3A_119 : vector<1x384x384xf32> to vector<384x384xf32>
    %dot_general3A_121 = arith.constant dense<0.000000e+00> : vector<256x384xf32>
    %dot_general3A_122 = tpu.matmul %slice3A_115, %get3A_120, %dot_general3A_121 {dimension_numbers = #tpu.dot_dimension_numbers<[1], [0], [0], [1], [0, 0, 1, 1], [], []>, transpose_lhs_hint = false} : vector<256x384xf32>, vector<384x384xf32>, vector<256x384xf32> -> vector<256x384xf32>
    %add3A_123 = arith.addf %add3A_114, %dot_general3A_122 : vector<256x384xf32>
    %slice3A_124 = vector.extract_strided_slice %div3A_23 {offsets = [2560, 0], sizes = [256, 384], strides = [1, 1]} : vector<3072x384xf32> to vector<256x384xf32>
    %get3A_125 = arith.constant 11 : index
    %get3A_126 = arith.constant 0 : index
    %get3A_127 = arith.constant 0 : index
    %get3A_128 = vector.load %arg6[%get3A_125, %get3A_126, %get3A_127] : memref<13x384x384xf32, #tpu.memory_space<vmem>>, vector<1x384x384xf32>
    %get3A_129 = vector.shape_cast %get3A_128 : vector<1x384x384xf32> to vector<384x384xf32>
    %dot_general3A_130 = arith.constant dense<0.000000e+00> : vector<256x384xf32>
    %dot_general3A_131 = tpu.matmul %slice3A_124, %get3A_129, %dot_general3A_130 {dimension_numbers = #tpu.dot_dimension_numbers<[1], [0], [0], [1], [0, 0, 1, 1], [], []>, transpose_lhs_hint = false} : vector<256x384xf32>, vector<384x384xf32>, vector<256x384xf32> -> vector<256x384xf32>
    %add3A_132 = arith.addf %add3A_123, %dot_general3A_131 : vector<256x384xf32>
    %slice3A_133 = vector.extract_strided_slice %div3A_23 {offsets = [2816, 0], sizes = [256, 384], strides = [1, 1]} : vector<3072x384xf32> to vector<256x384xf32>
    %get3A_134 = arith.constant 12 : index
    %get3A_135 = arith.constant 0 : index
    %get3A_136 = arith.constant 0 : index
    %get3A_137 = vector.load %arg6[%get3A_134, %get3A_135, %get3A_136] : memref<13x384x384xf32, #tpu.memory_space<vmem>>, vector<1x384x384xf32>
    %get3A_138 = vector.shape_cast %get3A_137 : vector<1x384x384xf32> to vector<384x384xf32>
    %dot_general3A_139 = arith.constant dense<0.000000e+00> : vector<256x384xf32>
    %dot_general3A_140 = tpu.matmul %slice3A_133, %get3A_138, %dot_general3A_139 {dimension_numbers = #tpu.dot_dimension_numbers<[1], [0], [0], [1], [0, 0, 1, 1], [], []>, transpose_lhs_hint = false} : vector<256x384xf32>, vector<384x384xf32>, vector<256x384xf32> -> vector<256x384xf32>
    %add3A_141 = arith.addf %add3A_132, %dot_general3A_140 : vector<256x384xf32>
    %get3A_142 = arith.constant 0 : index
    %get3A_143 = arith.constant 0 : index
    %get3A_144 = vector.load %arg8[%get3A_142, %get3A_143] : memref<384x192xf32, #tpu.memory_space<vmem>>, vector<384x192xf32>
    %dot_general3A_145 = arith.constant dense<0.000000e+00> : vector<256x192xf32>
    %dot_general3A_146 = tpu.matmul %add3A_141, %get3A_144, %dot_general3A_145 {dimension_numbers = #tpu.dot_dimension_numbers<[1], [0], [0], [1], [0, 0, 1, 1], [], []>, transpose_lhs_hint = false} : vector<256x384xf32>, vector<384x192xf32>, vector<256x192xf32> -> vector<256x192xf32>
    %get3A_147 = arith.constant 0 : index
    %get3A_148 = arith.constant 0 : index
    %get3A_149 = vector.load %arg9[%get3A_147, %get3A_148] : memref<1x192xf32, #tpu.memory_space<vmem>>, vector<1x192xf32>
    %add3A_150 = vector.broadcast %get3A_149 : vector<1x192xf32> to vector<256x192xf32>
    %add3A_151 = arith.addf %dot_general3A_146, %add3A_150 : vector<256x192xf32>
    %max3A_152 = arith.constant 0.000000e+00 : f32
    %max3A_153 = vector.broadcast %max3A_152 : f32 to vector<256x192xf32>
    %max3A_154 = arith.maximumf %add3A_151, %max3A_153 : vector<256x192xf32>
    %get3A_155 = arith.constant 0 : index
    %get3A_156 = arith.constant 0 : index
    %get3A_157 = vector.load %arg10[%get3A_155, %get3A_156] : memref<192x384xf32, #tpu.memory_space<vmem>>, vector<192x384xf32>
    %dot_general3A_158 = arith.constant dense<0.000000e+00> : vector<256x384xf32>
    %dot_general3A_159 = tpu.matmul %max3A_154, %get3A_157, %dot_general3A_158 {dimension_numbers = #tpu.dot_dimension_numbers<[1], [0], [0], [1], [0, 0, 1, 1], [], []>, transpose_lhs_hint = false} : vector<256x192xf32>, vector<192x384xf32>, vector<256x384xf32> -> vector<256x384xf32>
    %get3A_160 = arith.constant 0 : index
    %get3A_161 = arith.constant 0 : index
    %get3A_162 = vector.load %arg11[%get3A_160, %get3A_161] : memref<1x384xf32, #tpu.memory_space<vmem>>, vector<1x384xf32>
    %add3A_163 = vector.broadcast %get3A_162 : vector<1x384xf32> to vector<256x384xf32>
    %add3A_164 = arith.addf %dot_general3A_159, %add3A_163 : vector<256x384xf32>
    %add3A_165 = arith.addf %add3A_164, %add3A_141 : vector<256x384xf32>
    %get3A_166 = arith.constant 0 : index
    %get3A_167 = arith.constant 0 : index
    %get3A_168 = vector.load %arg12[%get3A_166, %get3A_167] : memref<384x768xf32, #tpu.memory_space<vmem>>, vector<384x768xf32>
    %dot_general3A_169 = arith.constant dense<0.000000e+00> : vector<256x768xf32>
    %dot_general3A_170 = tpu.matmul %add3A_165, %get3A_168, %dot_general3A_169 {dimension_numbers = #tpu.dot_dimension_numbers<[1], [0], [0], [1], [0, 0, 1, 1], [], []>, transpose_lhs_hint = false} : vector<256x384xf32>, vector<384x768xf32>, vector<256x768xf32> -> vector<256x768xf32>
    %get3A_171 = arith.constant 0 : index
    %get3A_172 = arith.constant 0 : index
    %get3A_173 = vector.load %arg13[%get3A_171, %get3A_172] : memref<1x768xf32, #tpu.memory_space<vmem>>, vector<1x768xf32>
    %add3A_174 = vector.broadcast %get3A_173 : vector<1x768xf32> to vector<256x768xf32>
    %add3A_175 = arith.addf %dot_general3A_170, %add3A_174 : vector<256x768xf32>
    %swap3A = arith.constant 0 : index
    %swap3A_176 = arith.constant 0 : index
    %swap3A_177 = vector.load %arg14[%swap3A, %swap3A_176] : memref<256x768xf32, #tpu.memory_space<vmem>>, vector<256x768xf32>
    tpu.vector_store %arg14[%swap3A, %swap3A_176], %add3A_175 {strides = array<i32>} : memref<256x768xf32, #tpu.memory_space<vmem>>, vector<256x768xf32>,
    return
  }
  func.func @transform_0(%arg0: i32) -> (i32, i32) {
    %c0_i32 = arith.constant 0 : i32
    %c0_i32_0 = arith.constant 0 : i32
    return %arg0, %c0_i32 : i32, i32
  }
  func.func @transform_1(%arg0: i32) -> (i32, i32, i32) {
    %c0_i32 = arith.constant 0 : i32
    %c0_i32_0 = arith.constant 0 : i32
    %c0_i32_1 = arith.constant 0 : i32
    return %arg0, %c0_i32, %c0_i32_0 : i32, i32, i32
  }
  func.func @transform_2(%arg0: i32) -> (i32, i32, i32) {
    %c0_i32 = arith.constant 0 : i32
    %c0_i32_0 = arith.constant 0 : i32
    %c0_i32_1 = arith.constant 0 : i32
    return %arg0, %c0_i32, %c0_i32_0 : i32, i32, i32
  }
  func.func @transform_3(%arg0: i32) -> (i32, i32, i32) {
    %c0_i32 = arith.constant 0 : i32
    %c0_i32_0 = arith.constant 0 : i32
    %c0_i32_1 = arith.constant 0 : i32
    return %arg0, %c0_i32, %c0_i32_0 : i32, i32, i32
  }
  func.func @transform_4(%arg0: i32) -> (i32, i32, i32) {
    %c0_i32 = arith.constant 0 : i32
    %c0_i32_0 = arith.constant 0 : i32
    %c0_i32_1 = arith.constant 0 : i32
    return %arg0, %c0_i32, %c0_i32_0 : i32, i32, i32
  }
  func.func @transform_5(%arg0: i32) -> (i32, i32, i32) {
    %c0_i32 = arith.constant 0 : i32
    %c0_i32_0 = arith.constant 0 : i32
    %c0_i32_1 = arith.constant 0 : i32
    %c0_i32_2 = arith.constant 0 : i32
    return %c0_i32, %c0_i32_0, %c0_i32_1 : i32, i32, i32
  }
  func.func @transform_6(%arg0: i32) -> (i32, i32) {
    %c0_i32 = arith.constant 0 : i32
    %c0_i32_0 = arith.constant 0 : i32
    %c0_i32_1 = arith.constant 0 : i32
    return %c0_i32, %c0_i32_0 : i32, i32
  }
  func.func @transform_7(%arg0: i32) -> (i32, i32) {
    %c0_i32 = arith.constant 0 : i32
    %c0_i32_0 = arith.constant 0 : i32
    %c0_i32_1 = arith.constant 0 : i32
    return %c0_i32, %c0_i32_0 : i32, i32
  }
  func.func @transform_8(%arg0: i32) -> (i32, i32) {
    %c0_i32 = arith.constant 0 : i32
    %c0_i32_0 = arith.constant 0 : i32
    %c0_i32_1 = arith.constant 0 : i32
    return %c0_i32, %c0_i32_0 : i32, i32
  }
  func.func @transform_9(%arg0: i32) -> (i32, i32) {
    %c0_i32 = arith.constant 0 : i32
    %c0_i32_0 = arith.constant 0 : i32
    %c0_i32_1 = arith.constant 0 : i32
    return %c0_i32, %c0_i32_0 : i32, i32
  }
  func.func @transform_10(%arg0: i32) -> (i32, i32) {
    %c0_i32 = arith.constant 0 : i32
    %c0_i32_0 = arith.constant 0 : i32
    %c0_i32_1 = arith.constant 0 : i32
    return %c0_i32, %c0_i32_0 : i32, i32
  }
  func.func @transform_11(%arg0: i32) -> (i32, i32) {
    %c0_i32 = arith.constant 0 : i32
    %c0_i32_0 = arith.constant 0 : i32
    %c0_i32_1 = arith.constant 0 : i32
    return %c0_i32, %c0_i32_0 : i32, i32
  }
  func.func @transform_12(%arg0: i32) -> (i32, i32) {
    %c0_i32 = arith.constant 0 : i32
    %c0_i32_0 = arith.constant 0 : i32
    %c0_i32_1 = arith.constant 0 : i32
    return %c0_i32, %c0_i32_0 : i32, i32
  }
  func.func @transform_13(%arg0: i32) -> (i32, i32) {
    %c0_i32 = arith.constant 0 : i32
    %c0_i32_0 = arith.constant 0 : i32
    return %arg0, %c0_i32 : i32, i32
  }
}

module attributes {stable_mosaic.version = 14 : i64} {
  func.func @body(%arg0: i32, %arg1: memref<256x768xf32, #tpu.memory_space<vmem>>, %arg2: memref<768x384xf32, #tpu.memory_space<vmem>>, %arg3: memref<1x384xf32, #tpu.memory_space<vmem>>, %arg4: memref<384x768xf32, #tpu.memory_space<vmem>>, %arg5: memref<1x768xf32, #tpu.memory_space<vmem>>, %arg6: memref<768x768xf32, #tpu.memory_space<vmem>>, %arg7: memref<1x768xf32, #tpu.memory_space<vmem>>, %arg8: memref<256x768xf32, #tpu.memory_space<vmem>>) attributes {dimension_semantics = [#tpu.dimension_semantics<arbitrary>], iteration_bounds = array<i64: 8>, scalar_prefetch = 0 : i64, scratch_operands = 0 : i64, tpu.core_type = #tpu.core_type<tc>, window_params = [{transform_indices = @transform_0, window_bounds = array<i64: 256, 768>}, {pipeline_mode = #tpu.pipeline_mode<synchronous>, transform_indices = @transform_1, window_bounds = array<i64: 768, 384>}, {pipeline_mode = #tpu.pipeline_mode<synchronous>, transform_indices = @transform_2, window_bounds = array<i64: 1, 384>}, {pipeline_mode = #tpu.pipeline_mode<synchronous>, transform_indices = @transform_3, window_bounds = array<i64: 384, 768>}, {pipeline_mode = #tpu.pipeline_mode<synchronous>, transform_indices = @transform_4, window_bounds = array<i64: 1, 768>}, {pipeline_mode = #tpu.pipeline_mode<synchronous>, transform_indices = @transform_5, window_bounds = array<i64: 768, 768>}, {pipeline_mode = #tpu.pipeline_mode<synchronous>, transform_indices = @transform_6, window_bounds = array<i64: 1, 768>}, {transform_indices = @transform_7, window_bounds = array<i64: 256, 768>}]} {
    %get3A = arith.constant 0 : index
    %get3A_0 = arith.constant 0 : index
    %get3A_1 = vector.load %arg1[%get3A, %get3A_0] : memref<256x768xf32, #tpu.memory_space<vmem>>, vector<256x768xf32>
    %get3A_2 = arith.constant 0 : index
    %get3A_3 = arith.constant 0 : index
    %get3A_4 = vector.load %arg2[%get3A_2, %get3A_3] : memref<768x384xf32, #tpu.memory_space<vmem>>, vector<768x384xf32>
    %dot_general3A = arith.constant dense<0.000000e+00> : vector<256x384xf32>
    %dot_general3A_5 = tpu.matmul %get3A_1, %get3A_4, %dot_general3A {dimension_numbers = #tpu.dot_dimension_numbers<[1], [0], [0], [1], [0, 0, 1, 1], [], []>, transpose_lhs_hint = false} : vector<256x768xf32>, vector<768x384xf32>, vector<256x384xf32> -> vector<256x384xf32>
    %get3A_6 = arith.constant 0 : index
    %get3A_7 = arith.constant 0 : index
    %get3A_8 = vector.load %arg3[%get3A_6, %get3A_7] : memref<1x384xf32, #tpu.memory_space<vmem>>, vector<1x384xf32>
    %add3A = vector.broadcast %get3A_8 : vector<1x384xf32> to vector<256x384xf32>
    %add3A_9 = arith.addf %dot_general3A_5, %add3A : vector<256x384xf32>
    %max3A = arith.constant 0.000000e+00 : f32
    %max3A_10 = vector.broadcast %max3A : f32 to vector<256x384xf32>
    %max3A_11 = arith.maximumf %add3A_9, %max3A_10 : vector<256x384xf32>
    %get3A_12 = arith.constant 0 : index
    %get3A_13 = arith.constant 0 : index
    %get3A_14 = vector.load %arg4[%get3A_12, %get3A_13] : memref<384x768xf32, #tpu.memory_space<vmem>>, vector<384x768xf32>
    %dot_general3A_15 = arith.constant dense<0.000000e+00> : vector<256x768xf32>
    %dot_general3A_16 = tpu.matmul %max3A_11, %get3A_14, %dot_general3A_15 {dimension_numbers = #tpu.dot_dimension_numbers<[1], [0], [0], [1], [0, 0, 1, 1], [], []>, transpose_lhs_hint = false} : vector<256x384xf32>, vector<384x768xf32>, vector<256x768xf32> -> vector<256x768xf32>
    %get3A_17 = arith.constant 0 : index
    %get3A_18 = arith.constant 0 : index
    %get3A_19 = vector.load %arg5[%get3A_17, %get3A_18] : memref<1x768xf32, #tpu.memory_space<vmem>>, vector<1x768xf32>
    %add3A_20 = vector.broadcast %get3A_19 : vector<1x768xf32> to vector<256x768xf32>
    %add3A_21 = arith.addf %dot_general3A_16, %add3A_20 : vector<256x768xf32>
    %add3A_22 = arith.addf %add3A_21, %get3A_1 : vector<256x768xf32>
    %get3A_23 = arith.constant 0 : index
    %get3A_24 = arith.constant 0 : index
    %get3A_25 = vector.load %arg6[%get3A_23, %get3A_24] : memref<768x768xf32, #tpu.memory_space<vmem>>, vector<768x768xf32>
    %dot_general3A_26 = arith.constant dense<0.000000e+00> : vector<256x768xf32>
    %dot_general3A_27 = tpu.matmul %add3A_22, %get3A_25, %dot_general3A_26 {dimension_numbers = #tpu.dot_dimension_numbers<[1], [0], [0], [1], [0, 0, 1, 1], [], []>, transpose_lhs_hint = false} : vector<256x768xf32>, vector<768x768xf32>, vector<256x768xf32> -> vector<256x768xf32>
    %get3A_28 = arith.constant 0 : index
    %get3A_29 = arith.constant 0 : index
    %get3A_30 = vector.load %arg7[%get3A_28, %get3A_29] : memref<1x768xf32, #tpu.memory_space<vmem>>, vector<1x768xf32>
    %add3A_31 = vector.broadcast %get3A_30 : vector<1x768xf32> to vector<256x768xf32>
    %add3A_32 = arith.addf %dot_general3A_27, %add3A_31 : vector<256x768xf32>
    %swap3A = arith.constant 0 : index
    %swap3A_33 = arith.constant 0 : index
    %swap3A_34 = vector.load %arg8[%swap3A, %swap3A_33] : memref<256x768xf32, #tpu.memory_space<vmem>>, vector<256x768xf32>
    tpu.vector_store %arg8[%swap3A, %swap3A_33], %add3A_32 {strides = array<i32>} : memref<256x768xf32, #tpu.memory_space<vmem>>, vector<256x768xf32>,
    return
  }
  func.func @transform_0(%arg0: i32) -> (i32, i32) {
    %c0_i32 = arith.constant 0 : i32
    %c0_i32_0 = arith.constant 0 : i32
    return %arg0, %c0_i32 : i32, i32
  }
  func.func @transform_1(%arg0: i32) -> (i32, i32) {
    %c0_i32 = arith.constant 0 : i32
    %c0_i32_0 = arith.constant 0 : i32
    %c0_i32_1 = arith.constant 0 : i32
    return %c0_i32, %c0_i32_0 : i32, i32
  }
  func.func @transform_2(%arg0: i32) -> (i32, i32) {
    %c0_i32 = arith.constant 0 : i32
    %c0_i32_0 = arith.constant 0 : i32
    %c0_i32_1 = arith.constant 0 : i32
    return %c0_i32, %c0_i32_0 : i32, i32
  }
  func.func @transform_3(%arg0: i32) -> (i32, i32) {
    %c0_i32 = arith.constant 0 : i32
    %c0_i32_0 = arith.constant 0 : i32
    %c0_i32_1 = arith.constant 0 : i32
    return %c0_i32, %c0_i32_0 : i32, i32
  }
  func.func @transform_4(%arg0: i32) -> (i32, i32) {
    %c0_i32 = arith.constant 0 : i32
    %c0_i32_0 = arith.constant 0 : i32
    %c0_i32_1 = arith.constant 0 : i32
    return %c0_i32, %c0_i32_0 : i32, i32
  }
  func.func @transform_5(%arg0: i32) -> (i32, i32) {
    %c0_i32 = arith.constant 0 : i32
    %c0_i32_0 = arith.constant 0 : i32
    %c0_i32_1 = arith.constant 0 : i32
    return %c0_i32, %c0_i32_0 : i32, i32
  }
  func.func @transform_6(%arg0: i32) -> (i32, i32) {
    %c0_i32 = arith.constant 0 : i32
    %c0_i32_0 = arith.constant 0 : i32
    %c0_i32_1 = arith.constant 0 : i32
    return %c0_i32, %c0_i32_0 : i32, i32
  }
  func.func @transform_7(%arg0: i32) -> (i32, i32) {
    %c0_i32 = arith.constant 0 : i32
    %c0_i32_0 = arith.constant 0 : i32
    return %arg0, %c0_i32 : i32, i32
  }
}

module attributes {stable_mosaic.version = 14 : i64} {
  func.func @body(%arg0: i32, %arg1: memref<1x128x768xf32, #tpu.memory_space<vmem>>, %arg2: memref<1x32x768xf32, #tpu.memory_space<vmem>>, %arg3: memref<768x768xf32, #tpu.memory_space<vmem>>, %arg4: memref<768x384xf32, #tpu.memory_space<vmem>>, %arg5: memref<1x384xf32, #tpu.memory_space<vmem>>, %arg6: memref<384x768xf32, #tpu.memory_space<vmem>>, %arg7: memref<1x768xf32, #tpu.memory_space<vmem>>, %arg8: memref<1x32x768xf32, #tpu.memory_space<vmem>>) attributes {dimension_semantics = [#tpu.dimension_semantics<arbitrary>], iteration_bounds = array<i64: 16>, scalar_prefetch = 0 : i64, scratch_operands = 0 : i64, tpu.core_type = #tpu.core_type<tc>, window_params = [{transform_indices = @transform_0, window_bounds = array<i64: 1, 128, 768>}, {transform_indices = @transform_1, window_bounds = array<i64: 1, 32, 768>}, {pipeline_mode = #tpu.pipeline_mode<synchronous>, transform_indices = @transform_2, window_bounds = array<i64: 768, 768>}, {pipeline_mode = #tpu.pipeline_mode<synchronous>, transform_indices = @transform_3, window_bounds = array<i64: 768, 384>}, {pipeline_mode = #tpu.pipeline_mode<synchronous>, transform_indices = @transform_4, window_bounds = array<i64: 1, 384>}, {pipeline_mode = #tpu.pipeline_mode<synchronous>, transform_indices = @transform_5, window_bounds = array<i64: 384, 768>}, {pipeline_mode = #tpu.pipeline_mode<synchronous>, transform_indices = @transform_6, window_bounds = array<i64: 1, 768>}, {transform_indices = @transform_7, window_bounds = array<i64: 1, 32, 768>}]} {
    %get3A = arith.constant 0 : index
    %get3A_0 = arith.constant 0 : index
    %get3A_1 = arith.constant 0 : index
    %get3A_2 = vector.load %arg1[%get3A, %get3A_0, %get3A_1] : memref<1x128x768xf32, #tpu.memory_space<vmem>>, vector<1x128x768xf32>
    %get3A_3 = vector.shape_cast %get3A_2 : vector<1x128x768xf32> to vector<128x768xf32>
    %get3A_4 = arith.constant 0 : index
    %get3A_5 = arith.constant 0 : index
    %get3A_6 = arith.constant 0 : index
    %get3A_7 = vector.load %arg2[%get3A_4, %get3A_5, %get3A_6] : memref<1x32x768xf32, #tpu.memory_space<vmem>>, vector<1x32x768xf32>
    %get3A_8 = vector.shape_cast %get3A_7 : vector<1x32x768xf32> to vector<32x768xf32>
    %get3A_9 = arith.constant 0 : index
    %get3A_10 = arith.constant 0 : index
    %get3A_11 = vector.load %arg3[%get3A_9, %get3A_10] : memref<768x768xf32, #tpu.memory_space<vmem>>, vector<768x768xf32>
    %dot_general3A = arith.constant dense<0.000000e+00> : vector<128x768xf32>
    %dot_general3A_12 = tpu.matmul %get3A_3, %get3A_11, %dot_general3A {dimension_numbers = #tpu.dot_dimension_numbers<[1], [0], [0], [1], [0, 0, 1, 1], [], []>, transpose_lhs_hint = false} : vector<128x768xf32>, vector<768x768xf32>, vector<128x768xf32> -> vector<128x768xf32>
    %dot_general3A_13 = arith.constant dense<0.000000e+00> : vector<128x32xf32>
    %dot_general3A_14 = tpu.matmul %dot_general3A_12, %get3A_8, %dot_general3A_13 {dimension_numbers = #tpu.dot_dimension_numbers<[1], [1], [0], [0], [0, 0, 1, 0], [], []>, transpose_lhs_hint = false} : vector<128x768xf32>, vector<32x768xf32>, vector<128x32xf32> -> vector<128x32xf32>
    %div3A = arith.constant 7.680000e+02 : f32
    %div3A_15 = vector.broadcast %div3A : f32 to vector<128x32xf32>
    %div3A_16 = arith.divf %dot_general3A_14, %div3A_15 : vector<128x32xf32>
    %reduce_max3A = arith.constant dense<0xFF800000> : vector<32xf32>
    %reduce_max3A_17 = vector.multi_reduction <maximumf>, %div3A_16, %reduce_max3A [0] : vector<128x32xf32> to vector<32xf32>
    %broadcast_in_dim3A = vector.shape_cast %reduce_max3A_17 : vector<32xf32> to vector<1x32xf32>
    %sub3A = vector.broadcast %broadcast_in_dim3A : vector<1x32xf32> to vector<128x32xf32>
    %sub3A_18 = arith.subf %div3A_16, %sub3A : vector<128x32xf32>
    %exp3A = math.exp %sub3A_18 : vector<128x32xf32>
    %reduce_sum3A = arith.constant dense<0.000000e+00> : vector<32xf32>
    %reduce_sum3A_19 = vector.multi_reduction <add>, %exp3A, %reduce_sum3A [0] : vector<128x32xf32> to vector<32xf32>
    %broadcast_in_dim3A_20 = vector.shape_cast %reduce_sum3A_19 : vector<32xf32> to vector<1x32xf32>
    %div3A_21 = vector.broadcast %broadcast_in_dim3A_20 : vector<1x32xf32> to vector<128x32xf32>
    %div3A_22 = arith.divf %exp3A, %div3A_21 : vector<128x32xf32>
    %dot_general3A_23 = arith.constant dense<0.000000e+00> : vector<32x768xf32>
    %dot_general3A_24 = tpu.matmul %div3A_22, %get3A_3, %dot_general3A_23 {dimension_numbers = #tpu.dot_dimension_numbers<[0], [0], [1], [1], [0, 1, 1, 1], [], []>, transpose_lhs_hint = false} : vector<128x32xf32>, vector<128x768xf32>, vector<32x768xf32> -> vector<32x768xf32>
    %add3A = arith.addf %dot_general3A_24, %get3A_8 : vector<32x768xf32>
    %get3A_25 = arith.constant 0 : index
    %get3A_26 = arith.constant 0 : index
    %get3A_27 = vector.load %arg4[%get3A_25, %get3A_26] : memref<768x384xf32, #tpu.memory_space<vmem>>, vector<768x384xf32>
    %dot_general3A_28 = arith.constant dense<0.000000e+00> : vector<32x384xf32>
    %dot_general3A_29 = tpu.matmul %add3A, %get3A_27, %dot_general3A_28 {dimension_numbers = #tpu.dot_dimension_numbers<[1], [0], [0], [1], [0, 0, 1, 1], [], []>, transpose_lhs_hint = false} : vector<32x768xf32>, vector<768x384xf32>, vector<32x384xf32> -> vector<32x384xf32>
    %get3A_30 = arith.constant 0 : index
    %get3A_31 = arith.constant 0 : index
    %get3A_32 = vector.load %arg5[%get3A_30, %get3A_31] : memref<1x384xf32, #tpu.memory_space<vmem>>, vector<1x384xf32>
    %add3A_33 = vector.broadcast %get3A_32 : vector<1x384xf32> to vector<32x384xf32>
    %add3A_34 = arith.addf %dot_general3A_29, %add3A_33 : vector<32x384xf32>
    %max3A = arith.constant 0.000000e+00 : f32
    %max3A_35 = vector.broadcast %max3A : f32 to vector<32x384xf32>
    %max3A_36 = arith.maximumf %add3A_34, %max3A_35 : vector<32x384xf32>
    %get3A_37 = arith.constant 0 : index
    %get3A_38 = arith.constant 0 : index
    %get3A_39 = vector.load %arg6[%get3A_37, %get3A_38] : memref<384x768xf32, #tpu.memory_space<vmem>>, vector<384x768xf32>
    %dot_general3A_40 = arith.constant dense<0.000000e+00> : vector<32x768xf32>
    %dot_general3A_41 = tpu.matmul %max3A_36, %get3A_39, %dot_general3A_40 {dimension_numbers = #tpu.dot_dimension_numbers<[1], [0], [0], [1], [0, 0, 1, 1], [], []>, transpose_lhs_hint = false} : vector<32x384xf32>, vector<384x768xf32>, vector<32x768xf32> -> vector<32x768xf32>
    %get3A_42 = arith.constant 0 : index
    %get3A_43 = arith.constant 0 : index
    %get3A_44 = vector.load %arg7[%get3A_42, %get3A_43] : memref<1x768xf32, #tpu.memory_space<vmem>>, vector<1x768xf32>
    %add3A_45 = vector.broadcast %get3A_44 : vector<1x768xf32> to vector<32x768xf32>
    %add3A_46 = arith.addf %dot_general3A_41, %add3A_45 : vector<32x768xf32>
    %add3A_47 = arith.addf %add3A_46, %add3A : vector<32x768xf32>
    %swap3A = arith.constant 0 : index
    %swap3A_48 = arith.constant 0 : index
    %swap3A_49 = arith.constant 0 : index
    %swap3A_50 = vector.load %arg8[%swap3A, %swap3A_48, %swap3A_49] : memref<1x32x768xf32, #tpu.memory_space<vmem>>, vector<1x32x768xf32>
    %swap3A_51 = vector.shape_cast %swap3A_50 : vector<1x32x768xf32> to vector<32x768xf32>
    %swap3A_52 = vector.shape_cast %add3A_47 : vector<32x768xf32> to vector<1x32x768xf32>
    tpu.vector_store %arg8[%swap3A, %swap3A_48, %swap3A_49], %swap3A_52 {strides = array<i32>} : memref<1x32x768xf32, #tpu.memory_space<vmem>>, vector<1x32x768xf32>,
    return
  }
  func.func @transform_0(%arg0: i32) -> (i32, i32, i32) {
    %c0_i32 = arith.constant 0 : i32
    %c0_i32_0 = arith.constant 0 : i32
    %c0_i32_1 = arith.constant 0 : i32
    return %arg0, %c0_i32, %c0_i32_0 : i32, i32, i32
  }
  func.func @transform_1(%arg0: i32) -> (i32, i32, i32) {
    %c0_i32 = arith.constant 0 : i32
    %c0_i32_0 = arith.constant 0 : i32
    %c0_i32_1 = arith.constant 0 : i32
    return %arg0, %c0_i32, %c0_i32_0 : i32, i32, i32
  }
  func.func @transform_2(%arg0: i32) -> (i32, i32) {
    %c0_i32 = arith.constant 0 : i32
    %c0_i32_0 = arith.constant 0 : i32
    %c0_i32_1 = arith.constant 0 : i32
    return %c0_i32, %c0_i32_0 : i32, i32
  }
  func.func @transform_3(%arg0: i32) -> (i32, i32) {
    %c0_i32 = arith.constant 0 : i32
    %c0_i32_0 = arith.constant 0 : i32
    %c0_i32_1 = arith.constant 0 : i32
    return %c0_i32, %c0_i32_0 : i32, i32
  }
  func.func @transform_4(%arg0: i32) -> (i32, i32) {
    %c0_i32 = arith.constant 0 : i32
    %c0_i32_0 = arith.constant 0 : i32
    %c0_i32_1 = arith.constant 0 : i32
    return %c0_i32, %c0_i32_0 : i32, i32
  }
  func.func @transform_5(%arg0: i32) -> (i32, i32) {
    %c0_i32 = arith.constant 0 : i32
    %c0_i32_0 = arith.constant 0 : i32
    %c0_i32_1 = arith.constant 0 : i32
    return %c0_i32, %c0_i32_0 : i32, i32
  }
  func.func @transform_6(%arg0: i32) -> (i32, i32) {
    %c0_i32 = arith.constant 0 : i32
    %c0_i32_0 = arith.constant 0 : i32
    %c0_i32_1 = arith.constant 0 : i32
    return %c0_i32, %c0_i32_0 : i32, i32
  }
  func.func @transform_7(%arg0: i32) -> (i32, i32, i32) {
    %c0_i32 = arith.constant 0 : i32
    %c0_i32_0 = arith.constant 0 : i32
    %c0_i32_1 = arith.constant 0 : i32
    return %arg0, %c0_i32, %c0_i32_0 : i32, i32, i32
  }
}

module attributes {stable_mosaic.version = 14 : i64} {
  func.func @body(%arg0: i32, %arg1: memref<512x768xf32, #tpu.memory_space<vmem>>, %arg2: memref<768x2048xf32, #tpu.memory_space<vmem>>, %arg3: memref<1x2048xf32, #tpu.memory_space<vmem>>, %arg4: memref<512x2048xf32, #tpu.memory_space<vmem>>) attributes {dimension_semantics = [#tpu.dimension_semantics<arbitrary>], iteration_bounds = array<i64: 9>, scalar_prefetch = 0 : i64, scratch_operands = 0 : i64, tpu.core_type = #tpu.core_type<tc>, window_params = [{pipeline_mode = #tpu.pipeline_mode<synchronous>, transform_indices = @transform_0, window_bounds = array<i64: 512, 768>}, {transform_indices = @transform_1, window_bounds = array<i64: 768, 2048>}, {transform_indices = @transform_2, window_bounds = array<i64: 1, 2048>}, {transform_indices = @transform_3, window_bounds = array<i64: 512, 2048>}]} {
    %get3A = arith.constant 0 : index
    %get3A_0 = arith.constant 0 : index
    %get3A_1 = vector.load %arg1[%get3A, %get3A_0] : memref<512x768xf32, #tpu.memory_space<vmem>>, vector<512x768xf32>
    %get3A_2 = arith.constant 0 : index
    %get3A_3 = arith.constant 0 : index
    %get3A_4 = vector.load %arg2[%get3A_2, %get3A_3] : memref<768x2048xf32, #tpu.memory_space<vmem>>, vector<768x2048xf32>
    %dot_general3A = arith.constant dense<0.000000e+00> : vector<512x2048xf32>
    %dot_general3A_5 = tpu.matmul %get3A_1, %get3A_4, %dot_general3A {dimension_numbers = #tpu.dot_dimension_numbers<[1], [0], [0], [1], [0, 0, 1, 1], [], []>, transpose_lhs_hint = false} : vector<512x768xf32>, vector<768x2048xf32>, vector<512x2048xf32> -> vector<512x2048xf32>
    %get3A_6 = arith.constant 0 : index
    %get3A_7 = arith.constant 0 : index
    %get3A_8 = vector.load %arg3[%get3A_6, %get3A_7] : memref<1x2048xf32, #tpu.memory_space<vmem>>, vector<1x2048xf32>
    %add3A = vector.broadcast %get3A_8 : vector<1x2048xf32> to vector<512x2048xf32>
    %add3A_9 = arith.addf %dot_general3A_5, %add3A : vector<512x2048xf32>
    %swap3A = arith.constant 0 : index
    %swap3A_10 = arith.constant 0 : index
    %swap3A_11 = vector.load %arg4[%swap3A, %swap3A_10] : memref<512x2048xf32, #tpu.memory_space<vmem>>, vector<512x2048xf32>
    tpu.vector_store %arg4[%swap3A, %swap3A_10], %add3A_9 {strides = array<i32>} : memref<512x2048xf32, #tpu.memory_space<vmem>>, vector<512x2048xf32>,
    return
  }
  func.func @transform_0(%arg0: i32) -> (i32, i32) {
    %c0_i32 = arith.constant 0 : i32
    %c0_i32_0 = arith.constant 0 : i32
    %c0_i32_1 = arith.constant 0 : i32
    return %c0_i32, %c0_i32_0 : i32, i32
  }
  func.func @transform_1(%arg0: i32) -> (i32, i32) {
    %c0_i32 = arith.constant 0 : i32
    %c0_i32_0 = arith.constant 0 : i32
    return %c0_i32, %arg0 : i32, i32
  }
  func.func @transform_2(%arg0: i32) -> (i32, i32) {
    %c0_i32 = arith.constant 0 : i32
    %c0_i32_0 = arith.constant 0 : i32
    return %c0_i32, %arg0 : i32, i32
  }
  func.func @transform_3(%arg0: i32) -> (i32, i32) {
    %c0_i32 = arith.constant 0 : i32
    %c0_i32_0 = arith.constant 0 : i32
    return %c0_i32, %arg0 : i32, i32
  }
}

</mosaic_0001>

<sc_bundles>
// kernel: kernel.12.cloned.1.call-start
scs
__scs_entry_jumppad:
0x0: {  	(pc) =	sbr.rel $0x88, $3  }
0x1: {  	(tag) =	ssettag $0x0;
	lr =	simm.s32 $0x1  }
0x2: {  	[smem:$0x3F85] =	sst lr;
	_ =	strace $0xD0000000  }
0x3: {  	_ = 	snop  }
0x4: {  	_ = 	snop  }
0x5: {  	_ = 	snop  }
0x6: {  	_ = 	snop  }
0x7: {  	_ = 	snop  }
__scs_overlays_trampoline_lowered:
0x8: {  	[smem:$0x3F94] =	sst s0  }
0x9: {  	[smem:$0x3F95] =	sst s1  }
0xa: {  	[smem:$0x3F96] =	sst s2  }
0xb: {  	[smem:$0x3F97] =	sst s3  }
0xc: {  	[smem:$0x3F98] =	sst s4  }
0xd: {  	[smem:$0x3F99] =	sst s5  }
0xe: {  	[smem:$0x3F9A] =	sst s6  }
0xf: {  	[smem:$0x3F9B] =	sst s7  }
0x10: {  	[smem:$0x3F9C] =	sst s8  }
0x11: {  	[smem:$0x3F9D] =	sst s9;
	s0 =	simm.s32 @!p0 $0x0  }
0x12: {  	s1 =	sld [smem:$0x3F83];
	s0 =	simm.s32 @p0 $0x1  }
0x13: {  	[smem:$0x3F9E] =	sst s0;
	s0 =	simm.s32 @!p1 $0x0  }
0x14: {  	s2 =	sld [smem:$0x3F82];
	s0 =	simm.s32 @p1 $0x1  }
0x15: {  	[smem:$0x3F9F] =	sst s0;
	s0 =	simm.s32 @!p2 $0x0  }
0x16: {  	s3 =	sld [smem:$0x3FDB];
	s0 =	simm.s32 @p2 $0x1  }
0x17: {  	s4 =	simm.s32 $0x1BF5;
	[smem:$0x3FA1] =	sst s0  }
0x18: {  	s0 =	sld [smem:$0x3F84];
	_ =	swait.ge [sflag:s4], $0x0  }
0x19: {  	s7 =	sld [smem:$0x3F85]  }
0x1a: {  	s8 =	sadd.s32 $0xFFFFE003, lr  }
0x1b: {  	s9 =	sadd.s32 $0xFFFFFEF7, lr;
	s5 =	simm.s32 $0xFFFFFFFF;
	p2 =	slt.u32 s8, $0xFFFFF086  }
0x1c: {  	p1 =	slt.u32 s9, $0xF7A;
	s5 =	simm.s32 @!p2 $0x0  }
0x1d: {  	s5 =	simm.s32 @p1 $0x1;
	p0 =	seq.s32 s7, s2  }
0x1e: {  	s7 =	smul.u32 @!p0 $0xF7A, s2;
	p2 =	seq.s32 @!p0 s5, $0x0  }
0x1f: {  	s9 =	smul.u32 $0xF7A, s1;
	s8 =	simm.s32 @!p0 $0x1BF5;
	p2 =	por !p2, p0  }
0x20: {  	[sflag:s8] =	ssyncset.s32 @!p0 $0xFFFFF086;
	s6 =	sadd.s32 @!p0 s3, s7;
	s7 =	simm.s32 @!p0 $0x108  }
0x21: {  	s3 =	sadd.s32 s3, s9;
	s6 =	sadd.s32 @!p0 $0x88, s6;
	s7 =	simm.s32 @p2 $0x1082  }
0x22: {  	[simem:s7], [sflag:s8] =	dma.local @!p0 [hbm:s6], $0xF7A  }
0x23: {  	s9 =	sor.u32 $0xD0000000, s2;
	s6 =	simm.s32 $0x108;
	_ =	swait.ge @!p0 [sflag:s8], $0x0  }
0x24: {  	s3 =	sadd.s32 $0x88, s3;
	s6 =	simm.s32 @!p1 $0x1082;
	[sflag:s4] =	ssyncset.s32 $0xFFFFF086  }
0x25: {  	[simem:s6], [sflag:s4] =	dma.local [hbm:s3], $0xF7A  }
0x26: {  	[smem:$0x3F85] =	sst s1;
	(tag) =	ssettag s2;
	_ =	strace s9  }
0x27: {  	s1 =	sld [smem:$0x3F95]  }
0x28: {  	s2 =	sld [smem:$0x3F96]  }
0x29: {  	s4 =	sld [smem:$0x3F98]  }
0x2a: {  	p0 =	seq.s32 s5, $0x0;
	s5 =	sld [smem:$0x3F99]  }
0x2b: {  	s6 =	sld [smem:$0x3F9A]  }
0x2c: {  	s7 =	sld [smem:$0x3F9B]  }
0x2d: {  	s3 =	simm.s32 $0x108;
	s8 =	sld [smem:$0x3F9C]  }
0x2e: {  	s3 =	simm.s32 @!p0 $0x1082;
	s9 =	sld [smem:$0x3F9D]  }
0x2f: {  	lr =	sadd.s32 s0, s3;
	s0 =	sld [smem:$0x3F94]  }
0x30: {  	s3 =	sld [smem:$0x3F97]  }
0x31: {  	[smem:$0x3FA0] =	sst s10  }
0x32: {  	s10 =	sld [smem:$0x3F9E];
	_ =	sdelay $0x3  }
0x33: {  	p0 =	seq.s32 s10, $0x1;
	s10 =	sld [smem:$0x3FA0];
	_ =	sdelay $0x3  }
0x34: {  	[smem:$0x3FA0] =	sst s10  }
0x35: {  	s10 =	sld [smem:$0x3F9F];
	_ =	sdelay $0x3  }
0x36: {  	p1 =	seq.s32 s10, $0x1;
	s10 =	sld [smem:$0x3FA0];
	_ =	sdelay $0x3  }
0x37: {  	[smem:$0x3FA0] =	sst s10  }
0x38: {  	s10 =	sld [smem:$0x3FA1]  }
0x39: {  	_ = 	snop;
	(pc) =	sbr.ind lr, $3  }
0x3a: {  	_ = 	snop  }
0x3b: {  	_ = 	snop  }
0x3c: {  	p2 =	seq.s32 s10, $0x1;
	s10 =	sld [smem:$0x3FA0]  }
0x3d: {  	_ =	shalt  }
0x3e: {  	_ =	shalt  }
0x3f: {  	_ =	shalt  }
0x40: {  	_ =	shalt  }
0x41: {  	_ =	shalt  }
0x42: {  	_ =	shalt  }
0x43: {  	_ =	shalt  }
0x44: {  	_ =	shalt  }
0x45: {  	_ =	shalt  }
0x46: {  	_ =	shalt  }
0x47: {  	_ =	shalt  }
0x48: {  	_ =	shalt  }
0x49: {  	_ =	shalt  }
0x4a: {  	_ =	shalt  }
0x4b: {  	_ =	shalt  }
0x4c: {  	_ =	shalt  }
0x4d: {  	_ =	shalt  }
0x4e: {  	_ =	shalt  }
0x4f: {  	_ =	shalt  }
0x50: {  	_ =	shalt  }
0x51: {  	_ =	shalt  }
0x52: {  	_ =	shalt  }
0x53: {  	_ =	shalt  }
0x54: {  	_ =	shalt  }
0x55: {  	_ =	shalt  }
0x56: {  	_ =	shalt  }
0x57: {  	_ =	shalt  }
0x58: {  	_ =	shalt  }
0x59: {  	_ =	shalt  }
0x5a: {  	_ =	shalt  }
0x5b: {  	_ =	shalt  }
0x5c: {  	_ =	shalt  }
0x5d: {  	_ =	shalt  }
0x5e: {  	_ =	shalt  }
0x5f: {  	_ =	shalt  }
0x60: {  	_ =	shalt  }
0x61: {  	_ =	shalt  }
0x62: {  	_ =	shalt  }
0x63: {  	_ =	shalt  }
0x64: {  	_ =	shalt  }
0x65: {  	_ =	shalt  }
0x66: {  	_ =	shalt  }
0x67: {  	_ =	shalt  }
0x68: {  	_ =	shalt  }
0x69: {  	_ =	shalt  }
0x6a: {  	_ =	shalt  }
0x6b: {  	_ =	shalt  }
0x6c: {  	_ =	shalt  }
0x6d: {  	_ =	shalt  }
0x6e: {  	_ =	shalt  }
0x6f: {  	_ =	shalt  }
0x70: {  	_ =	shalt  }
0x71: {  	_ =	shalt  }
0x72: {  	_ =	shalt  }
0x73: {  	_ =	shalt  }
0x74: {  	_ =	shalt  }
0x75: {  	_ =	shalt  }
0x76: {  	_ =	shalt  }
0x77: {  	_ =	shalt  }
0x78: {  	_ =	shalt  }
0x79: {  	_ =	shalt  }
0x7a: {  	_ =	shalt  }
0x7b: {  	_ =	shalt  }
0x7c: {  	_ =	shalt  }
0x7d: {  	_ =	shalt  }
0x7e: {  	_ =	shalt  }
0x7f: {  	_ =	shalt  }
0x80: {  	_ =	shalt  }
0x81: {  	_ =	shalt  }
0x82: {  	_ =	shalt  }
0x83: {  	_ =	shalt  }
0x84: {  	_ =	shalt  }
0x85: {  	_ =	shalt  }
0x86: {  	_ =	shalt  }
0x87: {  	_ =	shalt  }
.Lfunc_end0:
.L_simem_size_0:
called_computation.2_lowered:
.L_overlay_start_0:
0x88: {  	s2 =	sld [smem:$0x3FD9]  }
0x89: {  	s3 =	sld [smem:$0x3FFE];
	_ =	sdelay $0x1  }
0x8a: {  	s1 =	srdreg.scid  }
0x8b: {  	s0 =	sand.u32 $0x1, s1  }
0x8c: {  	s17 =	sshll.u32 s0, $0xA;
	s2 =	sadd.s32 s3, s2  }
0x8d: {  	s2 =	sadd.s32 s2, s17  }
0x8e: {  	[smem:$0x3FAC] =	sst s2  }
0x8f: {  	_ = 	snop  }
0x90: {  	s2 =	sld [smem:$0x3FD0];
	(tm) =	ssettm $0x1  }
0x91: {  	s18 =	sld [smem:$0x3FFB];
	_ =	sdelay $0x3  }
0x92: {  	_ =	strace s18  }
0x93: {  	s3 =	sld [smem:$0x3FFC];
	_ =	sdelay $0x3  }
0x94: {  	_ =	strace s3  }
0x95: {  	s3 =	sld [smem:$0x3FFD];
	_ =	sdelay $0x3  }
0x96: {  	_ =	strace s3  }
0x97: {  	_ =	strace $0x8FFFFFFF  }
0x98: {  	s19 =	sld [smem:$0x3FDB];
	_ =	sdelay $0x1  }
0x99: {  	s4 =	simm.s32 $_scs_section_size  }
0x9a: {  	s5 =	simm.s32 $_size__tile_overlayer_lowered;
	s6 =	simm.s32 $_tile_overlayer_lowered  }
0x9b: {  	s22 =	simm.s32 $0x1BFF;
	s21 =	sshll.u32 s6, $0x1;
	s3 =	sadd.s32 s4, s19  }
0x9c: {  	s7 =	simm.s32 $0x0;
	s20 =	sshll.u32 s5, $0x1;
	s5 =	sadd.s32 s21, s3  }
0x9d: {  	[timem:s7], [sflag:s22] =	dma.local [hbm:s5], s20  }
0x9e: {  	_ =	swait.ge [sflag:s22], s20  }
0x9f: {  	s4 =	ssub.s32 $0x0, s20;
	[sflag:s22] =	ssyncset.done $0x0  }
0xa0: {  	[sflag:s22] =	ssyncadd.s32 s4;
	_ =	sdelay $0x1  }
0xa1: {  	s23 =	simm.s32 $0x1B8B  }
0xa2: {  	_ =	swait.ge [sflag:s23], $0x1  }
0xa3: {  	[sflag:s23] =	ssyncset.done $0x0  }
0xa4: {  	s25 =	simm.s32 $0x1B8E;
	s24 =	sld [smem:$0x3FFE];
	[sflag:s23] =	ssyncadd.s32 $0xFFFFFFFF  }
0xa5: {  	s26 =	simm.s32 $execute0_lowered;
	[smem:$0x3FD2] =	sst s25  }
0xa6: {  	s5 =	sshll.u32 s26, $0x1;
	_ =	strace $0x80000049;
	[dreg:$0x1] =	wrdreg $0xFFFFFFFF  }
0xa7: {  	s28 =	simm.s32 $_size_execute0_lowered;
	s3 =	sadd.s32 s3, s5;
	[dreg:$0x0] =	wrdreg $0x0  }
0xa8: {  	s5 =	sshll.u32 s28, $0x1;
	[dreg:$0x2] =	wrdreg s3  }
0xa9: {  	[dreg:$0x3] =	wrdreg s5  }
0xaa: {  	[dreg:$0x4] =	wrdreg $0xC0  }
0xab: {  	_ =	task [dreg:s7], $0x5FFFF  }
0xac: {  	[dreg:$0x1] =	wrdreg $0xFFFFFFFF  }
0xad: {  	[dreg:$0x0] =	wrdreg $0x60  }
0xae: {  	[dreg:$0x2] =	wrdreg s24  }
0xaf: {  	[dreg:$0x3] =	wrdreg s2  }
0xb0: {  	[dreg:$0x4] =	wrdreg $0x9  }
0xb1: {  	_ =	task.clear_ibuf [dreg:s7], $0x5FFFF;
	_ =	strace $0x90000049  }
0xb2: {  	s29 =	simm.s32 $0x9;
	_ =	strace $0x8000004B  }
0xb3: {  	_ =	swait.ge [sflag:s29], $0x1  }
0xb4: {  	[sflag:s29] =	ssyncadd.s32 $0xFFFFFFFF  }
0xb5: {  	_ =	strace $0x9000004B  }
0xb6: {  	_ =	sfence  }
0xb7: {  	s30 =	sld [smem:$0x0];
	_ =	sdelay $0x2  }
0xb8: {  	s31 =	sshll.u32 s1, $0xD;
	s1 =	sshrl.u32 s1, $0x2  }
0xb9: {  	s3 =	sand.u32 $0x4000, s31;
	s1 =	sadd.s32 s1, s30  }
0xba: {  	s0 =	sor.u32 s3, s0;
	s1 =	sshll.u32 s1, $0x11  }
0xbb: {  	s0 =	sor.u32 s1, s0  }
0xbc: {  	s0 =	sadd.s32 $0x8F2B, s0  }
0xbd: {  	[sflag:s0] =	ssyncadd.remote.s32 $0x1  }
0xbe: {  	_ =	sfence.sel $0xFFFF  }
0xbf: {  	[dreg:$0x0] =	wrdreg $0xFFFFFFFF;
	(pc) =	sbr.abs _section_cstart, $3  }
0xc0: {  	[dreg:$0x1] =	wrdreg $0xFFFFFFFF  }
0xc1: {  	_ =	task.clear_ibuf [dreg:s7], $0x2FFFF;
	_ =	strace $0x9FFFFFFF  }
0xc2: {  	(tm) =	ssettm $0x7FFFFFFF  }
0xc3: {  	_ =	shalt  }
tec
execute0_lowered:
.L_overlay_start_1:
0x0: {  	(tag) =	ssettag $0x1  }
0x1: {  	s1 =	srdreg.scid  }
0x2: {  	s9 =	rddreg [dreg:$0x0];
	s0 =	stileid.u32;
	s13 =	sand.u32 $0x1, s1  }
0x3: {  	s15 =	rddreg [dreg:$0x1];
	s3 =	sshll.u32 s0, $0x2;
	s4 =	sshll.u32 s13, $0x1  }
0x4: {  	s2 =	simm.s32 $0x0;
	s1 =	rddreg [dreg:$0x2];
	s16 =	sor.u32 s4, s3  }
0x5: {  	[smem:$0x7FF] =	sst s2;
	s3 =	sadd.s32 s16, s9  }
0x6: {  	_ =	strace $0x8000004A;
	s4 =	sadd.s32 $0x6A3C00, s3;
	s3 =	simm.s32 $0x2  }
0x7: {  	[tilespmem:s2], [sflag:$0x2] =	stream.linear.gather [hbm4b:s4+s2], $0x10, $0x38;
	[tilespmem:$0x3080] =	vst v63  }
0x8: {  	_ =	swait.ge [sflag:s3], $0x10  }
0x9: {  	[sflag:s3] =	ssyncset.done $0x0  }
0xa: {  	[sflag:s3] =	ssyncadd.s32 $0xFFFFFFF0  }
0xb: {  	v0 =	vld [tilespmem:$0x0];
	_ =	sdelay $0x4  }
0xc: {  	v1 =	vshrl.u32 v0, $0x3  }
0xd: {  	v1 =	vmul.u32 $0x30, v1  }
0xe: {  	v2 =	vlaneseq.u32;
	v3 =	vand.u32 $0x7, v0  }
0xf: {  	v4 =	vshrl.u32 v2, $0x3;
	v0 =	vand.u32 $0x7, v2;
	v3 =	vor.u32 v3, v1  }
0x10: {  	v1 =	vmul.u32 $0x8, v4;
	v63 =	vperm.xlane v3, v0;
	_ =	sdelay $0x1  }
0x11: {  	v4 =	vadd.s32 v1, v63;
	_ =	sdelay $0x2  }
0x12: {  	v2 =	vor.u32 $0x8, v2  }
0x13: {  	vm0 =	vmmov $0xffff;
	s6 =	simm.s32 $0x80;
	s5 =	sadd.s32 $0x6A3E00, s9;
	v3 =	vperm.xlane v3, v2  }
0x14: {  	[tilespmem:s6], [sflag:$0x1] =	stream.indirect_vreg.gather [hbm4b:s5+s2], $0x80, v4, vm0, $0xb8;
	[tilespmem:$0x3080] =	vst v63  }
0x15: {  	s8 =	simm.s32 $0x880;
	s7 =	sadd.s32 $0x6A3F00, s9;
	v3 =	vadd.s32 v1, v3  }
0x16: {  	[tilespmem:s8], [sflag:$0x1] =	stream.indirect_vreg.gather [hbm4b:s7+s2], $0x80, v4, vm0, $0xb8;
	[tilespmem:$0x3080] =	vst v63  }
0x17: {  	s10 =	simm.s32 $0x1080;
	s17 =	ssub.s32 $0x2, s13;
	s9 =	sadd.s32 $0x6A4000, s9  }
0x18: {  	[tilespmem:s10], [sflag:$0x1] =	stream.indirect_vreg.gather [hbm4b:s9+s2], $0x80, v4, vm0, $0xb8;
	[tilespmem:$0x3080] =	vst v63  }
0x19: {  	s11 =	simm.s32 $0x1880;
	s18 =	sshrl.u32 s17, $0x1  }
0x1a: {  	[tilespmem:s11], [sflag:$0x1] =	stream.indirect_vreg.gather [hbm4b:s5+s2], $0x80, v3, vm0, $0xb8;
	[tilespmem:$0x3080] =	vst v63  }
0x1b: {  	s12 =	simm.s32 $0x2080;
	s17 =	ssub.s32 s17, s18  }
0x1c: {  	[tilespmem:s12], [sflag:$0x1] =	stream.indirect_vreg.gather [hbm4b:s7+s2], $0x80, v3, vm0, $0xb8;
	[tilespmem:$0x3080] =	vst v63  }
0x1d: {  	s14 =	simm.s32 $0x1;
	s13 =	simm.s32 $0x2880;
	s31 =	smax.u32 s17, $0x1  }
0x1e: {  	[tilespmem:s13], [sflag:$0x1] =	stream.indirect_vreg.gather [hbm4b:s9+s2], $0x80, v3, vm0, $0xb8;
	[tilespmem:$0x3080] =	vst v63  }
0x1f: {  	s16 =	smul.u32 $0x300, s16;
	p0 =	sne.s32 s31, $0x1;
	_ =	swait.ge [sflag:s14], $0x3000  }
.Ltmp0:
0x20: {  	[sflag:s14] =	ssyncset.done $0x0;
	(pc) =	sbr.rel @!p0 .LBB2_2-.Ltmp0, $4  }
0x21: {  	s15 =	sadd.s32 s15, s16;
	[sflag:s14] =	ssyncadd.s32 $0xFFFFD000  }
0x22: {  	[hbm4b:s15+s2] =	stream.linear.scatter [tilespmem:s6], [sflag:$0x2], $0x3000, $0x38;
	[tilespmem:$0x3080] =	vst v63  }
0x23: {  	_ =	swait.ge [sflag:s3], $0x3000  }
0x24: {  	s16 =	sadd.s32 $0xFFFFFFFF, s31;
	[sflag:s3] =	ssyncset.done $0x0  }
.LBB2_1:
0x25: {  	p0 =	sne.s32 s16, $0x1;
	s16 =	sadd.s32 $0xFFFFFFFF, s16;
	[sflag:s3] =	ssyncadd.s32 $0xFFFFD000  }
0x26: {  	[tilespmem:s2], [sflag:$0x2] =	stream.linear.gather [hbm4b:s4+s2], $0x10, $0x38;
	[tilespmem:$0x3080] =	vst v63  }
0x27: {  	_ =	swait.ge [sflag:s3], $0x10  }
0x28: {  	[sflag:s3] =	ssyncset.done $0x0  }
0x29: {  	[sflag:s3] =	ssyncadd.s32 $0xFFFFFFF0  }
0x2a: {  	v3 =	vld [tilespmem:$0x0];
	_ =	sdelay $0x4  }
0x2b: {  	v4 =	vshrl.u32 v3, $0x3  }
0x2c: {  	v4 =	vmul.u32 $0x30, v4  }
0x2d: {  	v3 =	vand.u32 $0x7, v3  }
0x2e: {  	v3 =	vor.u32 v3, v4  }
0x2f: {  	v4 =	vperm.xlane v3, v0;
	v3 =	vperm.xlane v3, v2;
	_ =	sdelay $0x1  }
0x30: {  	v4 =	vadd.s32 v1, v4;
	_ =	sdelay $0x4  }
0x31: {  	[tilespmem:s6], [sflag:$0x1] =	stream.indirect_vreg.gather [hbm4b:s5+s2], $0x80, v4, vm0, $0xb8;
	[tilespmem:$0x3080] =	vst v63  }
0x32: {  	v3 =	vadd.s32 v1, v3  }
0x33: {  	[tilespmem:s8], [sflag:$0x1] =	stream.indirect_vreg.gather [hbm4b:s7+s2], $0x80, v4, vm0, $0xb8;
	[tilespmem:$0x3080] =	vst v63  }
0x34: {  	_ = 	snop  }
0x35: {  	[tilespmem:s10], [sflag:$0x1] =	stream.indirect_vreg.gather [hbm4b:s9+s2], $0x80, v4, vm0, $0xb8;
	[tilespmem:$0x3080] =	vst v63  }
0x36: {  	_ = 	snop  }
0x37: {  	[tilespmem:s11], [sflag:$0x1] =	stream.indirect_vreg.gather [hbm4b:s5+s2], $0x80, v3, vm0, $0xb8;
	[tilespmem:$0x3080] =	vst v63  }
0x38: {  	_ = 	snop  }
0x39: {  	[tilespmem:s12], [sflag:$0x1] =	stream.indirect_vreg.gather [hbm4b:s7+s2], $0x80, v3, vm0, $0xb8;
	[tilespmem:$0x3080] =	vst v63  }
0x3a: {  	_ = 	snop  }
0x3b: {  	[tilespmem:s13], [sflag:$0x1] =	stream.indirect_vreg.gather [hbm4b:s9+s2], $0x80, v3, vm0, $0xb8;
	[tilespmem:$0x3080] =	vst v63  }
0x3c: {  	_ =	swait.ge [sflag:s14], $0x3000  }
.Ltmp1:
0x3d: {  	[sflag:s14] =	ssyncset.done $0x0;
	(pc) =	sbr.rel @p0 .LBB2_1-.Ltmp1, $4  }
0x3e: {  	[sflag:s14] =	ssyncadd.s32 $0xFFFFD000  }
0x3f: {  	[hbm4b:s15+s2] =	stream.linear.scatter [tilespmem:s6], [sflag:$0x2], $0x3000, $0x38;
	[tilespmem:$0x3080] =	vst v63  }
0x40: {  	_ =	swait.ge [sflag:s3], $0x3000  }
0x41: {  	[sflag:s3] =	ssyncset.done $0x0  }
.LBB2_2:
0x42: {  	[sflag:s3] =	ssyncadd.s32 $0xFFFFD000  }
0x43: {  	_ =	sfence.sel $0x180000  }
0x44: {  	[bflag:$0x0] =	sbarrier.arrive $0xFFFF  }
0x45: {  	p0 =	sne.s32 s0, $0x0;
	_ =	strace $0x9000004A  }
0x46: {  	s0 =	sadd.s32 @!p0 $0x100000, s1;
	[bflag:$0x2] =	sbarrier.arrive $0xFFFF  }
0x47: {  	[sflag:s0] =	ssyncadd.tile.s32 @!p0 $0x1;
	_ =	shalt  }
.Lfunc_end2:
_tile_overlayer_lowered:
.L_overlay_start_2:
0x48: {  	(tag) =	ssettag $0x2  }
0x49: {  	s0 =	rddreg [dreg:$0x0];
	s2 =	stileid.u32  }
0x4a: {  	s1 =	rddreg [dreg:$0x1];
	p0 =	sne.s32 s2, $0x0  }
0x4b: {  	s3 =	rddreg [dreg:$0x2];
	[bflag:$0x3] =	sbarrier.arrive $0xFFFF;
	s2 =	simm.s32 @!p0 $0x1C02  }
0x4c: {  	[timem:s3], [sflag:s2] =	dma.local @!p0 [hbm:s0], s1  }
0x4d: {  	s0 =	simm.s32 @!p0 $0x2  }
0x4e: {  	_ =	swait.ge @!p0 [sflag:s0], s1  }
0x4f: {  	s1 =	ssub.s32 @!p0 $0x0, s1;
	[sflag:s0] =	ssyncset.done @!p0 $0x0  }
0x50: {  	[sflag:s0] =	ssyncadd.s32 @!p0 s1  }
0x51: {  	[bflag:$0x3] =	sbarrier.arrive $0xFFFF  }
0x52: {  	_ =	shalt  }

// kernel: kernel.9.cloned.1.call-start
scs
__scs_entry_jumppad:
0x0: {  	(pc) =	sbr.rel $0x88, $3  }
0x1: {  	(tag) =	ssettag $0x0;
	lr =	simm.s32 $0x1  }
0x2: {  	[smem:$0x3F85] =	sst lr;
	_ =	strace $0xD0000000  }
0x3: {  	_ = 	snop  }
0x4: {  	_ = 	snop  }
0x5: {  	_ = 	snop  }
0x6: {  	_ = 	snop  }
0x7: {  	_ = 	snop  }
__scs_overlays_trampoline_lowered:
0x8: {  	[smem:$0x3F94] =	sst s0  }
0x9: {  	[smem:$0x3F95] =	sst s1  }
0xa: {  	[smem:$0x3F96] =	sst s2  }
0xb: {  	[smem:$0x3F97] =	sst s3  }
0xc: {  	[smem:$0x3F98] =	sst s4  }
0xd: {  	[smem:$0x3F99] =	sst s5  }
0xe: {  	[smem:$0x3F9A] =	sst s6  }
0xf: {  	[smem:$0x3F9B] =	sst s7  }
0x10: {  	[smem:$0x3F9C] =	sst s8  }
0x11: {  	[smem:$0x3F9D] =	sst s9;
	s0 =	simm.s32 @!p0 $0x0  }
0x12: {  	s1 =	sld [smem:$0x3F83];
	s0 =	simm.s32 @p0 $0x1  }
0x13: {  	[smem:$0x3F9E] =	sst s0;
	s0 =	simm.s32 @!p1 $0x0  }
0x14: {  	s2 =	sld [smem:$0x3F82];
	s0 =	simm.s32 @p1 $0x1  }
0x15: {  	[smem:$0x3F9F] =	sst s0;
	s0 =	simm.s32 @!p2 $0x0  }
0x16: {  	s3 =	sld [smem:$0x3FDB];
	s0 =	simm.s32 @p2 $0x1  }
0x17: {  	s4 =	simm.s32 $0x1BF5;
	[smem:$0x3FA1] =	sst s0  }
0x18: {  	s0 =	sld [smem:$0x3F84];
	_ =	swait.ge [sflag:s4], $0x0  }
0x19: {  	s7 =	sld [smem:$0x3F85]  }
0x1a: {  	s8 =	sadd.s32 $0xFFFFE003, lr  }
0x1b: {  	s9 =	sadd.s32 $0xFFFFFEF7, lr;
	s5 =	simm.s32 $0xFFFFFFFF;
	p2 =	slt.u32 s8, $0xFFFFF086  }
0x1c: {  	p1 =	slt.u32 s9, $0xF7A;
	s5 =	simm.s32 @!p2 $0x0  }
0x1d: {  	s5 =	simm.s32 @p1 $0x1;
	p0 =	seq.s32 s7, s2  }
0x1e: {  	s7 =	smul.u32 @!p0 $0xF7A, s2;
	p2 =	seq.s32 @!p0 s5, $0x0  }
0x1f: {  	s9 =	smul.u32 $0xF7A, s1;
	s8 =	simm.s32 @!p0 $0x1BF5;
	p2 =	por !p2, p0  }
0x20: {  	[sflag:s8] =	ssyncset.s32 @!p0 $0xFFFFF086;
	s6 =	sadd.s32 @!p0 s3, s7;
	s7 =	simm.s32 @!p0 $0x108  }
0x21: {  	s3 =	sadd.s32 s3, s9;
	s6 =	sadd.s32 @!p0 $0x88, s6;
	s7 =	simm.s32 @p2 $0x1082  }
0x22: {  	[simem:s7], [sflag:s8] =	dma.local @!p0 [hbm:s6], $0xF7A  }
0x23: {  	s9 =	sor.u32 $0xD0000000, s2;
	s6 =	simm.s32 $0x108;
	_ =	swait.ge @!p0 [sflag:s8], $0x0  }
0x24: {  	s3 =	sadd.s32 $0x88, s3;
	s6 =	simm.s32 @!p1 $0x1082;
	[sflag:s4] =	ssyncset.s32 $0xFFFFF086  }
0x25: {  	[simem:s6], [sflag:s4] =	dma.local [hbm:s3], $0xF7A  }
0x26: {  	[smem:$0x3F85] =	sst s1;
	(tag) =	ssettag s2;
	_ =	strace s9  }
0x27: {  	s1 =	sld [smem:$0x3F95]  }
0x28: {  	s2 =	sld [smem:$0x3F96]  }
0x29: {  	s4 =	sld [smem:$0x3F98]  }
0x2a: {  	p0 =	seq.s32 s5, $0x0;
	s5 =	sld [smem:$0x3F99]  }
0x2b: {  	s6 =	sld [smem:$0x3F9A]  }
0x2c: {  	s7 =	sld [smem:$0x3F9B]  }
0x2d: {  	s3 =	simm.s32 $0x108;
	s8 =	sld [smem:$0x3F9C]  }
0x2e: {  	s3 =	simm.s32 @!p0 $0x1082;
	s9 =	sld [smem:$0x3F9D]  }
0x2f: {  	lr =	sadd.s32 s0, s3;
	s0 =	sld [smem:$0x3F94]  }
0x30: {  	s3 =	sld [smem:$0x3F97]  }
0x31: {  	[smem:$0x3FA0] =	sst s10  }
0x32: {  	s10 =	sld [smem:$0x3F9E];
	_ =	sdelay $0x3  }
0x33: {  	p0 =	seq.s32 s10, $0x1;
	s10 =	sld [smem:$0x3FA0];
	_ =	sdelay $0x3  }
0x34: {  	[smem:$0x3FA0] =	sst s10  }
0x35: {  	s10 =	sld [smem:$0x3F9F];
	_ =	sdelay $0x3  }
0x36: {  	p1 =	seq.s32 s10, $0x1;
	s10 =	sld [smem:$0x3FA0];
	_ =	sdelay $0x3  }
0x37: {  	[smem:$0x3FA0] =	sst s10  }
0x38: {  	s10 =	sld [smem:$0x3FA1]  }
0x39: {  	_ = 	snop;
	(pc) =	sbr.ind lr, $3  }
0x3a: {  	_ = 	snop  }
0x3b: {  	_ = 	snop  }
0x3c: {  	p2 =	seq.s32 s10, $0x1;
	s10 =	sld [smem:$0x3FA0]  }
0x3d: {  	_ =	shalt  }
0x3e: {  	_ =	shalt  }
0x3f: {  	_ =	shalt  }
0x40: {  	_ =	shalt  }
0x41: {  	_ =	shalt  }
0x42: {  	_ =	shalt  }
0x43: {  	_ =	shalt  }
0x44: {  	_ =	shalt  }
0x45: {  	_ =	shalt  }
0x46: {  	_ =	shalt  }
0x47: {  	_ =	shalt  }
0x48: {  	_ =	shalt  }
0x49: {  	_ =	shalt  }
0x4a: {  	_ =	shalt  }
0x4b: {  	_ =	shalt  }
0x4c: {  	_ =	shalt  }
0x4d: {  	_ =	shalt  }
0x4e: {  	_ =	shalt  }
0x4f: {  	_ =	shalt  }
0x50: {  	_ =	shalt  }
0x51: {  	_ =	shalt  }
0x52: {  	_ =	shalt  }
0x53: {  	_ =	shalt  }
0x54: {  	_ =	shalt  }
0x55: {  	_ =	shalt  }
0x56: {  	_ =	shalt  }
0x57: {  	_ =	shalt  }
0x58: {  	_ =	shalt  }
0x59: {  	_ =	shalt  }
0x5a: {  	_ =	shalt  }
0x5b: {  	_ =	shalt  }
0x5c: {  	_ =	shalt  }
0x5d: {  	_ =	shalt  }
0x5e: {  	_ =	shalt  }
0x5f: {  	_ =	shalt  }
0x60: {  	_ =	shalt  }
0x61: {  	_ =	shalt  }
0x62: {  	_ =	shalt  }
0x63: {  	_ =	shalt  }
0x64: {  	_ =	shalt  }
0x65: {  	_ =	shalt  }
0x66: {  	_ =	shalt  }
0x67: {  	_ =	shalt  }
0x68: {  	_ =	shalt  }
0x69: {  	_ =	shalt  }
0x6a: {  	_ =	shalt  }
0x6b: {  	_ =	shalt  }
0x6c: {  	_ =	shalt  }
0x6d: {  	_ =	shalt  }
0x6e: {  	_ =	shalt  }
0x6f: {  	_ =	shalt  }
0x70: {  	_ =	shalt  }
0x71: {  	_ =	shalt  }
0x72: {  	_ =	shalt  }
0x73: {  	_ =	shalt  }
0x74: {  	_ =	shalt  }
0x75: {  	_ =	shalt  }
0x76: {  	_ =	shalt  }
0x77: {  	_ =	shalt  }
0x78: {  	_ =	shalt  }
0x79: {  	_ =	shalt  }
0x7a: {  	_ =	shalt  }
0x7b: {  	_ =	shalt  }
0x7c: {  	_ =	shalt  }
0x7d: {  	_ =	shalt  }
0x7e: {  	_ =	shalt  }
0x7f: {  	_ =	shalt  }
0x80: {  	_ =	shalt  }
0x81: {  	_ =	shalt  }
0x82: {  	_ =	shalt  }
0x83: {  	_ =	shalt  }
0x84: {  	_ =	shalt  }
0x85: {  	_ =	shalt  }
0x86: {  	_ =	shalt  }
0x87: {  	_ =	shalt  }
.Lfunc_end0:
.L_simem_size_0:
called_computation.1_lowered:
.L_overlay_start_0:
0x88: {  	s2 =	sld [smem:$0x3FD9]  }
0x89: {  	s3 =	sld [smem:$0x3FFE];
	_ =	sdelay $0x1  }
0x8a: {  	s1 =	srdreg.scid  }
0x8b: {  	s0 =	sand.u32 $0x1, s1  }
0x8c: {  	s17 =	sshll.u32 s0, $0xA;
	s2 =	sadd.s32 s3, s2  }
0x8d: {  	s2 =	sadd.s32 s2, s17  }
0x8e: {  	[smem:$0x3FAC] =	sst s2  }
0x8f: {  	_ = 	snop  }
0x90: {  	s2 =	sld [smem:$0x3FD0];
	(tm) =	ssettm $0x1  }
0x91: {  	s18 =	sld [smem:$0x3FFB];
	_ =	sdelay $0x3  }
0x92: {  	_ =	strace s18  }
0x93: {  	s3 =	sld [smem:$0x3FFC];
	_ =	sdelay $0x3  }
0x94: {  	_ =	strace s3  }
0x95: {  	s3 =	sld [smem:$0x3FFD];
	_ =	sdelay $0x3  }
0x96: {  	_ =	strace s3  }
0x97: {  	_ =	strace $0x8FFFFFFF  }
0x98: {  	s19 =	sld [smem:$0x3FDB];
	_ =	sdelay $0x1  }
0x99: {  	s4 =	simm.s32 $_scs_section_size  }
0x9a: {  	s5 =	simm.s32 $_size__tile_overlayer_lowered;
	s6 =	simm.s32 $_tile_overlayer_lowered  }
0x9b: {  	s22 =	simm.s32 $0x1BFF;
	s21 =	sshll.u32 s6, $0x1;
	s3 =	sadd.s32 s4, s19  }
0x9c: {  	s7 =	simm.s32 $0x0;
	s20 =	sshll.u32 s5, $0x1;
	s5 =	sadd.s32 s21, s3  }
0x9d: {  	[timem:s7], [sflag:s22] =	dma.local [hbm:s5], s20  }
0x9e: {  	_ =	swait.ge [sflag:s22], s20  }
0x9f: {  	s4 =	ssub.s32 $0x0, s20;
	[sflag:s22] =	ssyncset.done $0x0  }
0xa0: {  	[sflag:s22] =	ssyncadd.s32 s4;
	_ =	sdelay $0x1  }
0xa1: {  	s23 =	simm.s32 $0x1B8B  }
0xa2: {  	_ =	swait.ge [sflag:s23], $0x1  }
0xa3: {  	[sflag:s23] =	ssyncset.done $0x0  }
0xa4: {  	s25 =	simm.s32 $0x1B8E;
	s24 =	sld [smem:$0x3FFE];
	[sflag:s23] =	ssyncadd.s32 $0xFFFFFFFF  }
0xa5: {  	s26 =	simm.s32 $execute0_lowered;
	[smem:$0x3FD2] =	sst s25  }
0xa6: {  	s5 =	sshll.u32 s26, $0x1;
	_ =	strace $0x80000046;
	[dreg:$0x1] =	wrdreg $0xFFFFFFFF  }
0xa7: {  	s28 =	simm.s32 $_size_execute0_lowered;
	s3 =	sadd.s32 s3, s5;
	[dreg:$0x0] =	wrdreg $0x0  }
0xa8: {  	s5 =	sshll.u32 s28, $0x1;
	[dreg:$0x2] =	wrdreg s3  }
0xa9: {  	[dreg:$0x3] =	wrdreg s5  }
0xaa: {  	[dreg:$0x4] =	wrdreg $0xC0  }
0xab: {  	_ =	task [dreg:s7], $0x5FFFF  }
0xac: {  	[dreg:$0x1] =	wrdreg $0xFFFFFFFF  }
0xad: {  	[dreg:$0x0] =	wrdreg $0x60  }
0xae: {  	[dreg:$0x2] =	wrdreg s24  }
0xaf: {  	[dreg:$0x3] =	wrdreg s2  }
0xb0: {  	[dreg:$0x4] =	wrdreg $0x0  }
0xb1: {  	[dreg:$0x5] =	wrdreg $0x64000  }
0xb2: {  	[dreg:$0x6] =	wrdreg $0xC8000  }
0xb3: {  	[dreg:$0x7] =	wrdreg $0x12C000  }
0xb4: {  	[dreg:$0x8] =	wrdreg $0x9  }
0xb5: {  	_ =	task.clear_ibuf [dreg:s7], $0x9FFFF;
	_ =	strace $0x90000046  }
0xb6: {  	s29 =	simm.s32 $0x9;
	_ =	strace $0x80000048  }
0xb7: {  	_ =	swait.ge [sflag:s29], $0x1  }
0xb8: {  	[sflag:s29] =	ssyncadd.s32 $0xFFFFFFFF  }
0xb9: {  	_ =	strace $0x90000048  }
0xba: {  	_ =	sfence  }
0xbb: {  	s30 =	sld [smem:$0x0];
	_ =	sdelay $0x2  }
0xbc: {  	s31 =	sshll.u32 s1, $0xD;
	s1 =	sshrl.u32 s1, $0x2  }
0xbd: {  	s3 =	sand.u32 $0x4000, s31;
	s1 =	sadd.s32 s1, s30  }
0xbe: {  	s0 =	sor.u32 s3, s0;
	s1 =	sshll.u32 s1, $0x11  }
0xbf: {  	s0 =	sor.u32 s1, s0  }
0xc0: {  	s0 =	sadd.s32 $0x8F2B, s0  }
0xc1: {  	[sflag:s0] =	ssyncadd.remote.s32 $0x1  }
0xc2: {  	_ =	sfence.sel $0xFFFF  }
0xc3: {  	[dreg:$0x0] =	wrdreg $0xFFFFFFFF;
	(pc) =	sbr.abs _section_cstart, $3  }
0xc4: {  	[dreg:$0x1] =	wrdreg $0xFFFFFFFF  }
0xc5: {  	_ =	task.clear_ibuf [dreg:s7], $0x2FFFF;
	_ =	strace $0x9FFFFFFF  }
0xc6: {  	(tm) =	ssettm $0x7FFFFFFF  }
0xc7: {  	_ =	shalt  }
tec
execute0_lowered:
.L_overlay_start_1:
0x0: {  	(tag) =	ssettag $0x1  }
0x1: {  	s0 =	rddreg [dreg:$0x0]  }
0x2: {  	s2 =	rddreg [dreg:$0x2]  }
0x3: {  	s3 =	rddreg [dreg:$0x3]  }
0x4: {  	s4 =	rddreg [dreg:$0x4]  }
0x5: {  	s5 =	rddreg [dreg:$0x5];
	s1 =	simm.s32 $0x0;
	s21 =	srdreg.scid  }
0x6: {  	s16 =	stileid.u32;
	s31 =	simm.s32 $0x1C000;
	[smem:$0x7FF] =	sst s1  }
0x7: {  	s7 =	sadd.s32 $0x54000, s0;
	s8 =	sadd.s32 $0x2CE00, s0;
	s9 =	sadd.s32 $0x5C00, s0  }
0x8: {  	s10 =	sadd.s32 $0x7B200, s0;
	s11 =	sadd.s32 $0x8AC00, s0;
	s20 =	sadd.s32 $0x89E00, s0  }
0x9: {  	s6 =	sadd.s32 $0x8BA00, s0;
	_ =	strace $0x80000047;
	[dreg:$0x7] =	wrdreg s20  }
0xa: {  	s1 =	sand.u32 $0x1, s21;
	s22 =	sadd.s32 $0x8BC00, s0;
	[dreg:$0x8] =	wrdreg s6  }
0xb: {  	s23 =	smul.u32 $0x6400, s16;
	s12 =	sadd.s32 $0x26BC00, s0;
	[dreg:$0xa] =	wrdreg s22  }
0xc: {  	s0 =	sadd.s32 $0x44BC00, s0;
	s15 =	smul.u32 $0x6000, s16;
	[dreg:$0x9] =	wrdreg s1  }
0xd: {  	s30 =	smul.u32 $0x5, s16;
	s1 =	ssub.s32 $0x2, s1;
	[dreg:$0xb] =	wrdreg s12  }
0xe: {  	[dreg:$0xc] =	wrdreg s0;
	s12 =	simm.s32 $0x15000;
	s24 =	sshrl.u32 s1, $0x1  }
0xf: {  	s25 =	sadd.s32 s23, s2;
	s26 =	sadd.s32 s23, s3;
	s13 =	sadd.s32 s23, s4  }
0x10: {  	s6 =	sadd.s32 s23, s5;
	s14 =	sadd.s32 s15, s2;
	s21 =	sadd.s32 s15, s3  }
0x11: {  	s22 =	sadd.s32 s15, s4;
	s28 =	smov.u32 s15;
	s0 =	ssub.s32 s1, s24  }
0x12: {  	s1 =	sshrl.u32 s25, $0x3;
	s17 =	sshrl.u32 s26, $0x3;
	s18 =	sshrl.u32 s13, $0x3  }
0x13: {  	s19 =	sshrl.u32 s6, $0x3;
	s20 =	sshrl.u32 s14, $0x3;
	s23 =	sshrl.u32 s22, $0x3  }
0x14: {  	s24 =	sadd.s32 s15, s5;
	s25 =	sor.u32 $0xC00, s16;
	[dreg:$0xe] =	wrdreg s1  }
0x15: {  	s26 =	sshll.u32 s16, $0x3;
	s6 =	simm.s32 $0x13880;
	[dreg:$0xf] =	wrdreg s17  }
0x16: {  	s14 =	simm.s32 $0x17000;
	s13 =	simm.s32 $0x19000;
	[dreg:$0x10] =	wrdreg s18  }
.Ltmp0:
0x17: {  	s15 =	simm.s32 $0x1A000;
	[dreg:$0x11] =	wrdreg s19;
	(pc) =	sbr.rel .LBB2_1-.Ltmp0, $4  }
0x18: {  	s16 =	simm.s32 $0x1B000;
	s0 =	smax.u32 s0, $0x1;
	[dreg:$0x12] =	wrdreg s20  }
0x19: {  	[dreg:$0x14] =	wrdreg s23;
	s29 =	sshrl.u32 s24, $0x3;
	s20 =	simm.s32 $0x1  }
0x1a: {  	v2 =	vimm.s32 $0x0;
	s1 =	simm.s32 $0x20;
	[dreg:$0xd] =	wrdreg s0;
	s0 =	sshrl.u32 s21, $0x3  }
0x1b: {  	v3 =	vlaneseq.u32;
	v0 =	vmov s26;
	v1 =	vmov s25;
	s18 =	simm.s32 $0x0;
	[dreg:$0x13] =	wrdreg s0;
	s0 =	simm.s32 $0x2  }
.LBB2_11:
0x1c: {  	s18 =	rddreg [dreg:$0x15]  }
0x1d: {  	s17 =	rddreg [dreg:$0xd];
	s18 =	sadd.s32 $0x1, s18  }
0x1e: {  	p0 =	sne.s32 s18, s17  }
.Ltmp1:
0x1f: {  	_ = 	snop;
	(pc) =	sbr.rel @!p0 .LBB2_12-.Ltmp1, $1  }
0x20: {  	_ =	sdelay $0x3  }
.LBB2_1:
0x21: {  	[dreg:$0x15] =	wrdreg s18  }
.Ltmp2:
0x22: {  	s17 =	simm.s32 $0x0;
	s25 =	rddreg [dreg:$0x8];
	(pc) =	sbr.rel .LBB2_2-.Ltmp2, $4  }
0x23: {  	[tilespmem:s31], [sflag:$0x2] =	stream.linear.gather [hbm4b:s25+s17], $0x1000, $0x38;
	[tilespmem:$0x1D000] =	vst v63  }
0x24: {  	s26 =	stileid.u32;
	_ =	swait.ge [sflag:s0], $0x1000  }
0x25: {  	s17 =	sshll.u32 s26, $0x6;
	[sflag:s0] =	ssyncset.done $0x0  }
0x26: {  	s18 =	simm.s32 $0x0;
	s17 =	sor.u32 $0x1C02, s17;
	[sflag:s0] =	ssyncadd.s32 $0xFFFFF000  }
.LBB2_10:
0x27: {  	s19 =	smul.u32 $0x60000, s19;
	_ =	sdelay $0x1  }
0x28: {  	[bflag:$0x0] =	sbarrier.arrive $0xFFFF;
	s19 =	sadd.s32 s28, s19  }
0x29: {  	s21 =	rddreg [dreg:$0x1];
	s19 =	sshrl.u32 s19, $0x3  }
0x2a: {  	s22 =	rddreg [dreg:$0x12];
	s21 =	sadd.s32 s21, s19  }
0x2b: {  	[hbm:s21], [sflag:s17] =	dma.local [spmem:s22], $0xC00  }
0x2c: {  	_ =	swait.ge [sflag:s0], $0xC00  }
0x2d: {  	[sflag:s0] =	ssyncset.done $0x0;
	s22 =	rddreg [dreg:$0xa]  }
0x2e: {  	s23 =	rddreg [dreg:$0x13];
	[sflag:s0] =	ssyncadd.s32 $0xFFFFF400;
	s21 =	sadd.s32 s22, s19  }
0x2f: {  	[hbm:s21], [sflag:s17] =	dma.local [spmem:s23], $0xC00  }
0x30: {  	_ =	swait.ge [sflag:s0], $0xC00  }
0x31: {  	[sflag:s0] =	ssyncset.done $0x0;
	s24 =	rddreg [dreg:$0xb]  }
0x32: {  	s25 =	rddreg [dreg:$0x14];
	[sflag:s0] =	ssyncadd.s32 $0xFFFFF400;
	s21 =	sadd.s32 s24, s19  }
0x33: {  	[hbm:s21], [sflag:s17] =	dma.local [spmem:s25], $0xC00  }
0x34: {  	_ =	swait.ge [sflag:s0], $0xC00  }
0x35: {  	s18 =	sadd.s32 $0x1, s18;
	[sflag:s0] =	ssyncset.done $0x0;
	s26 =	rddreg [dreg:$0xc]  }
0x36: {  	p0 =	sne.s32 s18, $0x14;
	[sflag:s0] =	ssyncadd.s32 $0xFFFFF400;
	s19 =	sadd.s32 s26, s19  }
0x37: {  	[hbm:s19], [sflag:s17] =	dma.local [spmem:s29], $0xC00  }
.Ltmp3:
0x38: {  	_ =	swait.ge [sflag:s0], $0xC00;
	(pc) =	sbr.rel @!p0 .LBB2_11-.Ltmp3, $3  }
0x39: {  	[sflag:s0] =	ssyncset.done $0x0  }
0x3a: {  	[sflag:s0] =	ssyncadd.s32 $0xFFFFF400  }
0x3b: {  	[bflag:$0x0] =	sbarrier.arrive $0xFFFF;
	_ =	sdelay $0x1  }
.LBB2_2:
0x3c: {  	s19 =	rddreg [dreg:$0xe]  }
0x3d: {  	[spmem:s19], [sflag:s17] =	dma.local [hbm:s11], $0xC80  }
0x3e: {  	_ =	swait.ge [sflag:s0], $0xC80  }
0x3f: {  	[sflag:s0] =	ssyncset.done $0x0  }
0x40: {  	s22 =	rddreg [dreg:$0xf];
	[sflag:s0] =	ssyncadd.s32 $0xFFFFF380  }
0x41: {  	[spmem:s22], [sflag:s17] =	dma.local [hbm:s11], $0xC80  }
0x42: {  	_ =	swait.ge [sflag:s0], $0xC80  }
0x43: {  	[sflag:s0] =	ssyncset.done $0x0  }
0x44: {  	s23 =	rddreg [dreg:$0x10];
	[sflag:s0] =	ssyncadd.s32 $0xFFFFF380  }
0x45: {  	[spmem:s23], [sflag:s17] =	dma.local [hbm:s11], $0xC80  }
0x46: {  	_ =	swait.ge [sflag:s0], $0xC80  }
0x47: {  	[sflag:s0] =	ssyncset.done $0x0;
	s24 =	rddreg [dreg:$0x7]  }
0x48: {  	s21 =	rddreg [dreg:$0x11];
	[sflag:s0] =	ssyncadd.s32 $0xFFFFF380  }
0x49: {  	[spmem:s21], [sflag:s17] =	dma.local [hbm:s24], $0xC80  }
.Ltmp4:
0x4a: {  	_ =	swait.ge [sflag:s0], $0xC80;
	(pc) =	sbr.rel .LBB2_3-.Ltmp4, $4  }
0x4b: {  	s25 =	sshll.u32 s18, $0x1;
	s26 =	rddreg [dreg:$0x9];
	[sflag:s0] =	ssyncset.done $0x0  }
0x4c: {  	s19 =	sor.u32 s26, s25;
	[sflag:s0] =	ssyncadd.s32 $0xFFFFF380  }
0x4d: {  	s21 =	sshll.u32 s19, $0x8;
	[bflag:$0x0] =	sbarrier.arrive $0xFFFF  }
0x4e: {  	s22 =	simm.s32 $0x0;
	v4 =	vmov s21;
	s21 =	simm.s32 $0x0  }
.LBB2_8:
0x4f: {  	[sflag:s0] =	ssyncadd.s32 $0xFFFFF000  }
.LBB2_9:
0x50: {  	s22 =	sadd.s32 $0x1, s22  }
0x51: {  	p0 =	sne.s32 s22, $0x5  }
.Ltmp5:
0x52: {  	_ = 	snop;
	(pc) =	sbr.rel @!p0 .LBB2_10-.Ltmp5, $1  }
0x53: {  	_ =	sdelay $0x3  }
.LBB2_3:
0x54: {  	s23 =	sadd.s32 s30, s22  }
0x55: {  	s23 =	smul.u32 $0x2EE, s23;
	_ =	sdelay $0x1  }
0x56: {  	s23 =	sadd.s32 s10, s23  }
0x57: {  	[tilespmem:s6], [sflag:$0x2] =	stream.linear.gather [hbm4b:s23+s21], $0x1770, $0x38;
	[tilespmem:$0x1D000] =	vst v63  }
0x58: {  	_ =	swait.ge [sflag:s0], $0x1770  }
0x59: {  	[sflag:s0] =	ssyncset.done $0x0  }
0x5a: {  	s25 =	simm.s32 $0x0;
	[sflag:s0] =	ssyncadd.s32 $0xFFFFE890  }
0x5b: {  	v5 =	vld [tilespmem:s25+$0x14050];
	_ =	sdelay $0x4  }
0x5c: {  	v6 =	vsub.s32 v5, v4  }
0x5d: {  	vm0 =	vlt.u32 v6, $0x100  }
0x5e: {  	v5 =	vsel vm0, $0x1, v2  }
0x5f: {  	(xrf0) =	vadd.scan.msk.s32 $0xffff, v5;
	_ =	sdelay $0x5  }
0x60: {  	v7, _, _ =	vpop (xrf0)  }
0x61: {  	v8 =	vadd.s32 s21, v7  }
0x62: {  	(v2sf) =	vpush v7, $0xF;
	v7 =	vsub.s32 v8, v5  }
0x63: {  	v9 =	vshra.s32 v7, $0x1F  }
0x64: {  	v10 =	vshrl.u32 v9, $0x1B  }
0x65: {  	vm1 =	vne.s32 v8, v5;
	v5 =	vadd.s32 v10, v7  }
0x66: {  	v8 =	vsel vm1, $0x1, v2;
	v5 =	vshra.s32 v5, $0x5  }
0x67: {  	v8 =	vor.u32 v8, v9;
	v62 =	vshll.u32 v5, $0x5  }
0x68: {  	vm1 =	vne.s32 v8, $0x1;
	vm2 =	vne.s32 v7, v62  }
0x69: {  	vm1 =	vmand vm2, vm1  }
0x6a: {  	v8 =	vsel vm1, $0xFFFFFFFF, v2  }
0x6b: {  	v5 =	vadd.s32 v8, v5  }
0x6c: {  	v7 =	vand.u32 $0x1F, v7;
	v8 =	vld [tilespmem:s25+$0x14820];
	v5 =	vshll.u32 v5, $0x7  }
0x6d: {  	v63 =	vld [tilespmem:s25+$0x13880];
	v5 =	vor.u32 v7, v5;
	_ =	sdelay $0x3  }
0x6e: {  	s26 =	spop (v2sf);
	v7 =	vshll.u32 v8, $0x8  }
0x6f: {  	s24 =	simm.s32 $0x40;
	s25 =	simm.s32 $0x80;
	s23 =	sadd.s32 $0x0, s26;
	v6 =	vadd.s32 v6, v7;
	[tilespmem:v5+s12+$0x0] =	vst.idx.msk vm0, v63  }
.LBB2_4:
0x70: {  	p0 =	sne.s32 s25, $0x1F00  }
0x71: {  	s26 =	sshra.s32 s24, $0x2;
	[tilespmem:v5+s14+$0x0] =	vst.idx.msk vm0, v6;
	s24 =	smov.u32 s25;
	s25 =	sadd.s32 $0x40, s25  }
0x72: {  	v5 =	vld [tilespmem:s26+$0x14050];
	_ =	sdelay $0x4  }
0x73: {  	v6 =	vsub.s32 v5, v4  }
0x74: {  	vm0 =	vlt.u32 v6, $0x100  }
0x75: {  	v5 =	vsel vm0, $0x1, v2  }
0x76: {  	(xrf0) =	vadd.scan.msk.s32 $0xffff, v5;
	_ =	sdelay $0x5  }
0x77: {  	v7, _, _ =	vpop (xrf0)  }
0x78: {  	v8 =	vadd.s32 s23, v7;
	(v2sf) =	vpush v7, $0xF  }
0x79: {  	v7 =	vsub.s32 v8, v5;
	vm1 =	vne.s32 v8, v5  }
0x7a: {  	v5 =	vshra.s32 v7, $0x1F;
	v8 =	vsel vm1, $0x1, v2  }
0x7b: {  	v9 =	vshrl.u32 v5, $0x1B;
	v5 =	vor.u32 v8, v5  }
0x7c: {  	v8 =	vadd.s32 v9, v7  }
0x7d: {  	v8 =	vshra.s32 v8, $0x5  }
0x7e: {  	v9 =	vshll.u32 v8, $0x5  }
0x7f: {  	vm1 =	vne.s32 v5, $0x1;
	vm2 =	vne.s32 v7, v9  }
0x80: {  	vm1 =	vmand vm2, vm1  }
0x81: {  	v5 =	vsel vm1, $0xFFFFFFFF, v2  }
0x82: {  	v5 =	vadd.s32 v5, v8  }
0x83: {  	v7 =	vand.u32 $0x1F, v7;
	v8 =	vld [tilespmem:s26+$0x14820];
	v5 =	vshll.u32 v5, $0x7  }
0x84: {  	v9 =	vld [tilespmem:s26+$0x13880];
	v5 =	vor.u32 v7, v5  }
.Ltmp6:
0x85: {  	(pc) =	sbr.rel @p0 .LBB2_4-.Ltmp6, $4  }
0x86: {  	_ = 	snop  }
0x87: {  	s26 =	spop (v2sf)  }
0x88: {  	v7 =	vshll.u32 v8, $0x8;
	s23 =	sadd.s32 s23, s26  }
0x89: {  	v6 =	vadd.s32 v6, v7;
	[tilespmem:v5+s12+$0x0] =	vst.idx.msk vm0, v9  }
0x8a: {  	_ =	sdelay $0x4  }
0x8b: {  	s24 =	sshra.s32 s24, $0x2;
	[tilespmem:v5+s14+$0x0] =	vst.idx.msk vm0, v6  }
0x8c: {  	v5 =	vld [tilespmem:s24+$0x14050];
	_ =	sdelay $0x4  }
0x8d: {  	v5 =	vsub.s32 v5, v4  }
0x8e: {  	vm10 =	vlt.u32 v5, $0x100  }
0x8f: {  	v6 =	vsel vm10, $0x1, v2  }
0x90: {  	(xrf0) =	vadd.scan.msk.s32 $0xffff, v6;
	_ =	sdelay $0x5  }
0x91: {  	v7, _, _ =	vpop (xrf0)  }
0x92: {  	(v2sf) =	vpush v7, $0xF;
	_ =	sdelay $0xa  }
0x93: {  	v7 =	vadd.s32 s23, v7  }
0x94: {  	v8 =	vsub.s32 v7, v6  }
0x95: {  	v9 =	vshra.s32 v8, $0x1F  }
0x96: {  	vm1 =	vne.s32 v7, v6;
	v10 =	vshrl.u32 v9, $0x1B  }
0x97: {  	v7 =	vsel vm1, $0x1, v2;
	v6 =	vadd.s32 v10, v8;
	s25 =	spop (v2sf)  }
0x98: {  	v7 =	vor.u32 v7, v9;
	v6 =	vshra.s32 v6, $0x5;
	s26 =	sadd.s32 s23, s25  }
0x99: {  	vm11 =	vne.s32 v7, $0x1;
	v53 =	vshll.u32 v6, $0x5;
	v7 =	vadd.s32 s26, v3  }
0x9a: {  	vm2 =	vne.s32 v8, v53;
	v54 =	vshra.s32 v7, $0x1F  }
0x9b: {  	v8 =	vand.u32 $0x1F, v8;
	vm1 =	vmand vm2, vm11;
	s25 =	sadd.s32 $0x10, s26;
	v9 =	vshrl.u32 v54, $0x1B  }
0x9c: {  	v55 =	vsel vm1, $0xFFFFFFFF, v2;
	v56 =	vadd.s32 s25, v3;
	v9 =	vadd.s32 v9, v7  }
0x9d: {  	v6 =	vadd.s32 v55, v6;
	v11 =	vshra.s32 v56, $0x1F;
	v9 =	vshra.s32 v9, $0x5  }
0x9e: {  	v6 =	vshll.u32 v6, $0x7;
	v11 =	vshrl.u32 v11, $0x1B;
	v12 =	vshll.u32 v9, $0x5  }
0x9f: {  	v58 =	vld [tilespmem:s24+$0x14820];
	vm12 =	vlt.s32 v7, $0x1;
	v11 =	vadd.s32 v11, v56;
	vm13 =	vne.s32 v7, v12  }
0xa0: {  	v60 =	vld [tilespmem:s24+$0x13880];
	v6 =	vor.u32 v8, v6;
	s24 =	sadd.s32 $0x1F, s26;
	v57 =	vand.u32 $0xFFFFFFE0, v11;
	vm1 =	vmand vm12, vm13  }
0xa1: {  	s23 =	sand.u32 $0x1F, s24;
	vm14 =	vlt.s32 v56, $0x1;
	vm15 =	vne.s32 v56, v57;
	v13 =	vsel vm1, $0xFFFFFFFF, v2  }
0xa2: {  	s26 =	sshra.s32 s24, $0x1F;
	p0 =	slt.s32 s24, $0x1;
	p1 =	sne.s32 s23, $0x0;
	v11 =	vshrl.u32 v11, $0x5;
	vm1 =	vmand vm14, vm15;
	v59 =	vadd.s32 v13, v9  }
0xa3: {  	s25 =	sshrl.u32 s26, $0x1B;
	p0 =	por !p0, !p1;
	v7 =	vand.u32 $0x1F, v7;
	v61 =	vsel vm1, $0xFFFFFFFF, v2;
	v8 =	vshll.u32 v59, $0x7  }
0xa4: {  	s26 =	simm.s32 $0x1;
	s25 =	sadd.s32 s25, s24;
	p0 =	por !p0, !p0;
	v62 =	vadd.s32 v61, v11;
	v7 =	vor.u32 v7, v8  }
0xa5: {  	v10 =	vand.u32 $0x1F, v56;
	s25 =	sshra.s32 s25, $0x5;
	s26 =	simm.s32 @!p0 $0x0;
	v8 =	vshll.u32 v62, $0x7  }
0xa6: {  	v63 =	vshll.u32 v58, $0x8;
	s25 =	ssub.s32 s25, s26;
	v8 =	vor.u32 v10, v8  }
0xa7: {  	v5 =	vadd.s32 v5, v63;
	[tilespmem:v6+s12+$0x0] =	vst.idx.msk vm10, v60;
	p0 =	slt.s32 s25, $0x1  }
.Ltmp7:
0xa8: {  	[tilespmem:v6+s14+$0x0] =	vst.idx.msk vm10, v5;
	s23 =	simm.s32 $0x15000;
	(pc) =	sbr.rel @p0 .LBB2_9-.Ltmp7, $4  }
0xa9: {  	s24 =	simm.s32 $0x17000;
	[tilespmem:v7+s23+$0x0] =	vst.idx.msk $0xffff, v0  }
0xaa: {  	[tilespmem:v7+s24+$0x0] =	vst.idx.msk $0xffff, v1  }
0xab: {  	[tilespmem:v8+s23+$0x0] =	vst.idx.msk $0xffff, v0  }
0xac: {  	[tilespmem:v8+s24+$0x0] =	vst.idx.msk $0xffff, v1  }
0xad: {  	[tilespmem:s13], [sflag:$0x1] =	stream.indirect.gather [hbm4b:s7+s1], $0x80, s23, s1, $0xb8;
	[tilespmem:$0x1D000] =	vst v63  }
0xae: {  	_ = 	snop  }
0xaf: {  	[tilespmem:s15], [sflag:$0x1] =	stream.indirect.gather [hbm4b:s8+s1], $0x80, s23, s1, $0xb8;
	[tilespmem:$0x1D000] =	vst v63  }
0xb0: {  	_ = 	snop  }
0xb1: {  	[tilespmem:s16], [sflag:$0x1] =	stream.indirect.gather [hbm4b:s9+s1], $0x80, s23, s1, $0xb8;
	[tilespmem:$0x1D000] =	vst v63  }
0xb2: {  	_ = 	snop  }
0xb3: {  	[spmem:s5] =	stream.indirect.scatter.add.f32 [tilespmem:s31], [sflag:$0x2], $0x10, s24, s1, $0xb8;
	[tilespmem:$0x1D000] =	vst v63  }
0xb4: {  	_ =	swait.ge [sflag:s0], $0x200  }
0xb5: {  	[sflag:s0] =	ssyncset.done $0x0  }
0xb6: {  	[sflag:s0] =	ssyncadd.s32 $0xFFFFFE00  }
0xb7: {  	_ =	swait.ge [sflag:s20], $0x1000  }
0xb8: {  	[sflag:s20] =	ssyncset.done $0x0  }
0xb9: {  	[sflag:s20] =	ssyncadd.s32 $0xFFFFF000  }
0xba: {  	_ =	swait.ge [sflag:s20], $0x1000  }
0xbb: {  	[sflag:s20] =	ssyncset.done $0x0  }
0xbc: {  	[sflag:s20] =	ssyncadd.s32 $0xFFFFF000  }
0xbd: {  	_ =	swait.ge [sflag:s20], $0x1000  }
0xbe: {  	[sflag:s20] =	ssyncset.done $0x0  }
0xbf: {  	[sflag:s20] =	ssyncadd.s32 $0xFFFFF000  }
0xc0: {  	[spmem:s2] =	stream.indirect.scatter.add.f32 [tilespmem:s13], [sflag:$0x2], $0x80, s24, s1, $0xb8;
	[tilespmem:$0x1D000] =	vst v63  }
0xc1: {  	_ =	swait.ge [sflag:s0], $0x1000  }
0xc2: {  	[sflag:s0] =	ssyncset.done $0x0  }
0xc3: {  	[sflag:s0] =	ssyncadd.s32 $0xFFFFF000  }
0xc4: {  	[spmem:s3] =	stream.indirect.scatter.add.f32 [tilespmem:s15], [sflag:$0x2], $0x80, s24, s1, $0xb8;
	[tilespmem:$0x1D000] =	vst v63  }
0xc5: {  	p0 =	sne.s32 s25, $0x1;
	_ =	swait.ge [sflag:s0], $0x1000  }
.Ltmp8:
0xc6: {  	[sflag:s0] =	ssyncset.done $0x0;
	(pc) =	sbr.rel @!p0 .LBB2_8-.Ltmp8, $4  }
0xc7: {  	[sflag:s0] =	ssyncadd.s32 $0xFFFFF000  }
0xc8: {  	[spmem:s4] =	stream.indirect.scatter.add.f32 [tilespmem:s16], [sflag:$0x2], $0x80, s24, s1, $0xb8;
	[tilespmem:$0x1D000] =	vst v63  }
0xc9: {  	_ =	swait.ge [sflag:s0], $0x1000  }
0xca: {  	s25 =	sadd.s32 $0xFFFFFFFF, s25;
	[sflag:s0] =	ssyncset.done $0x0  }
.LBB2_7:
0xcb: {  	[sflag:s0] =	ssyncadd.s32 $0xFFFFF000;
	s23 =	sadd.s32 $0x80, s23;
	s24 =	sadd.s32 $0x80, s24  }
0xcc: {  	[tilespmem:s13], [sflag:$0x1] =	stream.indirect.gather [hbm4b:s7+s1], $0x80, s23, s1, $0xb8;
	[tilespmem:$0x1D000] =	vst v63  }
0xcd: {  	p0 =	sne.s32 s25, $0x1;
	s25 =	sadd.s32 $0xFFFFFFFF, s25  }
0xce: {  	[tilespmem:s15], [sflag:$0x1] =	stream.indirect.gather [hbm4b:s8+s1], $0x80, s23, s1, $0xb8;
	[tilespmem:$0x1D000] =	vst v63  }
0xcf: {  	_ = 	snop  }
0xd0: {  	[tilespmem:s16], [sflag:$0x1] =	stream.indirect.gather [hbm4b:s9+s1], $0x80, s23, s1, $0xb8;
	[tilespmem:$0x1D000] =	vst v63  }
0xd1: {  	_ = 	snop  }
0xd2: {  	[spmem:s5] =	stream.indirect.scatter.add.f32 [tilespmem:s31], [sflag:$0x2], $0x10, s24, s1, $0xb8;
	[tilespmem:$0x1D000] =	vst v63  }
0xd3: {  	_ =	swait.ge [sflag:s0], $0x200  }
0xd4: {  	[sflag:s0] =	ssyncset.done $0x0  }
0xd5: {  	[sflag:s0] =	ssyncadd.s32 $0xFFFFFE00  }
0xd6: {  	_ =	swait.ge [sflag:s20], $0x1000  }
0xd7: {  	[sflag:s20] =	ssyncset.done $0x0  }
0xd8: {  	[sflag:s20] =	ssyncadd.s32 $0xFFFFF000  }
0xd9: {  	_ =	swait.ge [sflag:s20], $0x1000  }
0xda: {  	[sflag:s20] =	ssyncset.done $0x0  }
0xdb: {  	[sflag:s20] =	ssyncadd.s32 $0xFFFFF000  }
0xdc: {  	_ =	swait.ge [sflag:s20], $0x1000  }
0xdd: {  	[sflag:s20] =	ssyncset.done $0x0  }
0xde: {  	[sflag:s20] =	ssyncadd.s32 $0xFFFFF000  }
0xdf: {  	[spmem:s2] =	stream.indirect.scatter.add.f32 [tilespmem:s13], [sflag:$0x2], $0x80, s24, s1, $0xb8;
	[tilespmem:$0x1D000] =	vst v63  }
0xe0: {  	_ =	swait.ge [sflag:s0], $0x1000  }
0xe1: {  	[sflag:s0] =	ssyncset.done $0x0  }
0xe2: {  	[sflag:s0] =	ssyncadd.s32 $0xFFFFF000  }
0xe3: {  	[spmem:s3] =	stream.indirect.scatter.add.f32 [tilespmem:s15], [sflag:$0x2], $0x80, s24, s1, $0xb8;
	[tilespmem:$0x1D000] =	vst v63  }
0xe4: {  	_ =	swait.ge [sflag:s0], $0x1000  }
.Ltmp9:
0xe5: {  	[sflag:s0] =	ssyncset.done $0x0;
	(pc) =	sbr.rel @p0 .LBB2_7-.Ltmp9, $4  }
0xe6: {  	[sflag:s0] =	ssyncadd.s32 $0xFFFFF000  }
0xe7: {  	[spmem:s4] =	stream.indirect.scatter.add.f32 [tilespmem:s16], [sflag:$0x2], $0x80, s24, s1, $0xb8;
	[tilespmem:$0x1D000] =	vst v63  }
0xe8: {  	_ =	swait.ge [sflag:s0], $0x1000  }
0xe9: {  	[sflag:s0] =	ssyncset.done $0x0  }
.Ltmp10:
0xea: {  	_ = 	snop;
	(pc) =	sbr.rel .LBB2_8-.Ltmp10, $1  }
0xeb: {  	_ =	sdelay $0x3  }
.LBB2_12:
0xec: {  	_ =	sfence.sel $0x180000  }
0xed: {  	[bflag:$0x0] =	sbarrier.arrive $0xFFFF  }
0xee: {  	_ =	strace $0x90000047  }
0xef: {  	s0 =	stileid.u32;
	[bflag:$0x2] =	sbarrier.arrive $0xFFFF  }
0xf0: {  	p0 =	sne.s32 s0, $0x0;
	s0 =	rddreg [dreg:$0x6]  }
0xf1: {  	s0 =	sadd.s32 @!p0 $0x100000, s0  }
0xf2: {  	[sflag:s0] =	ssyncadd.tile.s32 @!p0 $0x1;
	_ =	shalt  }
.Lfunc_end2:
_tile_overlayer_lowered:
.L_overlay_start_2:
0xf3: {  	(tag) =	ssettag $0x2  }
0xf4: {  	s0 =	rddreg [dreg:$0x0];
	s2 =	stileid.u32  }
0xf5: {  	s1 =	rddreg [dreg:$0x1];
	p0 =	sne.s32 s2, $0x0  }
0xf6: {  	s3 =	rddreg [dreg:$0x2];
	[bflag:$0x3] =	sbarrier.arrive $0xFFFF;
	s2 =	simm.s32 @!p0 $0x1C02  }
0xf7: {  	[timem:s3], [sflag:s2] =	dma.local @!p0 [hbm:s0], s1  }
0xf8: {  	s0 =	simm.s32 @!p0 $0x2  }
0xf9: {  	_ =	swait.ge @!p0 [sflag:s0], s1  }
0xfa: {  	s1 =	ssub.s32 @!p0 $0x0, s1;
	[sflag:s0] =	ssyncset.done @!p0 $0x0  }
0xfb: {  	[sflag:s0] =	ssyncadd.s32 @!p0 s1  }
0xfc: {  	[bflag:$0x3] =	sbarrier.arrive $0xFFFF  }
0xfd: {  	_ =	shalt  }

// kernel: sparse-core-data-format-call.cloned.1.call-start
scs
called_computation_lowered:
.L_overlay_start_0:
0x0: {  	s2 =	sld [smem:$0x3FD9]  }
0x1: {  	s3 =	sld [smem:$0x3FFE];
	_ =	sdelay $0x1  }
0x2: {  	s1 =	srdreg.scid  }
0x3: {  	s0 =	sand.u32 $0x1, s1  }
0x4: {  	s18 =	sshll.u32 s0, $0xA;
	s2 =	sadd.s32 s3, s2  }
0x5: {  	s2 =	sadd.s32 s2, s18  }
0x6: {  	[smem:$0x3FAC] =	sst s2  }
0x7: {  	_ = 	snop  }
0x8: {  	s2 =	sld [smem:$0x3FD0];
	(tm) =	ssettm $0x1  }
0x9: {  	s19 =	sld [smem:$0x3FFB];
	_ =	sdelay $0x3  }
0xa: {  	_ =	strace s19  }
0xb: {  	s3 =	sld [smem:$0x3FFC];
	_ =	sdelay $0x3  }
0xc: {  	_ =	strace s3  }
0xd: {  	s3 =	sld [smem:$0x3FFD];
	_ =	sdelay $0x3  }
0xe: {  	_ =	strace s3  }
0xf: {  	_ =	strace $0x8FFFFFFF  }
0x10: {  	s20 =	sld [smem:$0x3FDB];
	_ =	sdelay $0x1  }
0x11: {  	s4 =	simm.s32 $_scs_section_size  }
0x12: {  	s5 =	simm.s32 $_size__tile_overlayer_lowered;
	s6 =	simm.s32 $_tile_overlayer_lowered  }
0x13: {  	s23 =	simm.s32 $0x1BFF;
	s22 =	sshll.u32 s6, $0x1;
	s3 =	sadd.s32 s4, s20  }
0x14: {  	s7 =	simm.s32 $0x0;
	s21 =	sshll.u32 s5, $0x1;
	s5 =	sadd.s32 s22, s3  }
0x15: {  	[timem:s7], [sflag:s23] =	dma.local [hbm:s5], s21  }
0x16: {  	_ =	swait.ge [sflag:s23], s21  }
0x17: {  	s4 =	ssub.s32 $0x0, s21;
	[sflag:s23] =	ssyncset.done $0x0  }
0x18: {  	[sflag:s23] =	ssyncadd.s32 s4;
	_ =	sdelay $0x1  }
0x19: {  	s24 =	simm.s32 $0x1B8B  }
0x1a: {  	_ =	swait.ge [sflag:s24], $0x1  }
0x1b: {  	[sflag:s24] =	ssyncset.done $0x0  }
0x1c: {  	s26 =	simm.s32 $0x1B8E;
	s25 =	sld [smem:$0x3FFE];
	[sflag:s24] =	ssyncadd.s32 $0xFFFFFFFF  }
0x1d: {  	s27 =	simm.s32 $execute0_lowered;
	[smem:$0x3FD2] =	sst s26  }
0x1e: {  	s5 =	sshll.u32 s27, $0x1;
	_ =	strace $0x8000004C;
	[dreg:$0x1] =	wrdreg $0xFFFFFFFF  }
0x1f: {  	s28 =	simm.s32 $_size_execute0_lowered;
	s3 =	sadd.s32 s3, s5;
	[dreg:$0x0] =	wrdreg $0x0  }
0x20: {  	s5 =	sshll.u32 s28, $0x1;
	[dreg:$0x2] =	wrdreg s3  }
0x21: {  	[dreg:$0x3] =	wrdreg s5  }
0x22: {  	[dreg:$0x4] =	wrdreg $0xC0  }
0x23: {  	_ =	task [dreg:s7], $0x5FFFF  }
0x24: {  	[dreg:$0x1] =	wrdreg $0xFFFFFFFF  }
0x25: {  	[dreg:$0x0] =	wrdreg $0x60  }
0x26: {  	[dreg:$0x2] =	wrdreg s25  }
0x27: {  	[dreg:$0x3] =	wrdreg s2  }
0x28: {  	[dreg:$0x4] =	wrdreg $0x9  }
0x29: {  	_ =	task.clear_ibuf [dreg:s7], $0x5FFFF;
	_ =	strace $0x9000004C  }
0x2a: {  	s29 =	simm.s32 $0x9;
	_ =	strace $0x8000004E  }
0x2b: {  	_ =	swait.ge [sflag:s29], $0x1  }
0x2c: {  	[sflag:s29] =	ssyncadd.s32 $0xFFFFFFFF  }
0x2d: {  	_ =	strace $0x9000004E  }
0x2e: {  	_ =	sfence  }
0x2f: {  	s30 =	sld [smem:$0x0];
	_ =	sdelay $0x2  }
0x30: {  	s31 =	sshll.u32 s1, $0xD;
	s1 =	sshrl.u32 s1, $0x2  }
0x31: {  	s3 =	sand.u32 $0x4000, s31;
	s1 =	sadd.s32 s1, s30  }
0x32: {  	s0 =	sor.u32 s3, s0;
	s1 =	sshll.u32 s1, $0x11  }
0x33: {  	s0 =	sor.u32 s1, s0  }
0x34: {  	s0 =	sadd.s32 $0x8F2B, s0  }
0x35: {  	[sflag:s0] =	ssyncadd.remote.s32 $0x1  }
0x36: {  	_ =	sfence.sel $0xFFFF  }
0x37: {  	[dreg:$0x0] =	wrdreg $0xFFFFFFFF;
	(pc) =	sbr.abs _section_cstart, $3  }
0x38: {  	[dreg:$0x1] =	wrdreg $0xFFFFFFFF  }
0x39: {  	_ =	task.clear_ibuf [dreg:s7], $0x2FFFF;
	_ =	strace $0x9FFFFFFF  }
0x3a: {  	(tm) =	ssettm $0x7FFFFFFF  }
0x3b: {  	_ =	shalt  }
tec
execute0_lowered:
.L_overlay_start_1:
0x0: {  	(tag) =	ssettag $0x1  }
0x1: {  	s0 =	rddreg [dreg:$0x0]  }
0x2: {  	s3 =	stileid.u32;
	s1 =	srdreg.scid  }
0x3: {  	s9 =	rddreg [dreg:$0x1];
	_ =	strace $0x8000004D;
	s23 =	simm.s32 $0x2  }
0x4: {  	s17 =	simm.s32 $0x40;
	s18 =	simm.s32 $0x80;
	s19 =	simm.s32 $0x0  }
0x5: {  	s27 =	simm.s32 $0x0;
	s29 =	simm.s32 $0x0;
	s28 =	simm.s32 $0x0  }
0x6: {  	s31 =	simm.s32 $0x0;
	s2 =	sand.u32 $0x1, s1;
	s20 =	sshll.u32 s3, $0x3  }
0x7: {  	s3 =	sshrl.u32 s3, $0x1;
	s24 =	sadd.s32 $0x1800, s9;
	s25 =	sadd.s32 $0x3000, s9  }
0x8: {  	s26 =	sadd.s32 $0x4800, s9;
	s30 =	sadd.s32 $0x6000, s9;
	s13 =	sadd.s32 $0x7800, s9  }
0x9: {  	s4 =	sand.u32 $0x8, s20;
	s21 =	ssub.s32 $0x2, s2;
	s6 =	ssub.s32 $0x13, s3  }
0xa: {  	[dreg:$0x3] =	wrdreg s24;
	s5 =	ssub.s32 $0x10, s4;
	s7 =	sshrl.u32 s21, $0x1  }
0xb: {  	s6 =	sshrl.u32 s6, $0x3;
	s8 =	sshrl.u32 s5, $0x3;
	s1 =	ssub.s32 s21, s7  }
0xc: {  	s5 =	sshrl.u32 s5, $0x4;
	s22 =	sand.u32 $0x1, s8;
	s1 =	smul.u32 s1, s6  }
0xd: {  	s14 =	sadd.s32 $0x9000, s9;
	[dreg:$0x4] =	wrdreg s25;
	s5 =	sadd.s32 s5, s22  }
0xe: {  	s15 =	sadd.s32 $0xA800, s9;
	[dreg:$0x5] =	wrdreg s26;
	s1 =	smul.u32 s5, s1  }
.Ltmp0:
0xf: {  	[dreg:$0x6] =	wrdreg s30;
	s26 =	simm.s32 $0x0;
	(pc) =	sbr.rel .LBB1_1-.Ltmp0, $4  }
0x10: {  	s20 =	simm.s32 $0x0;
	s25 =	simm.s32 $0x0;
	s24 =	smov.u32 s4  }
0x11: {  	s7 =	sadd.s32 $0x5C00, s0;
	s6 =	simm.s32 $0x1;
	s8 =	smul.u32 $0xC, s1  }
0x12: {  	s21 =	smov.u32 s2;
	[sflag:s6] =	ssyncpa.u1 $0x0;
	s22 =	smov.u32 s3  }
0x13: {  	[sflag:s23] =	ssyncpa.u1 $0x0;
	s23 =	simm.s32 $0x0;
	s16 =	sor.u32 $0x1, s8  }
.LBB1_7:
0x14: {  	s0 =	sadd.s32 $0x1, s20  }
0x15: {  	s1 =	sadd.s32 $0x2, s21;
	s5 =	smov.u32 s21;
	p1 =	sgt.s32 s0, $0xB  }
0x16: {  	s5 =	smov.u32 @p1 s1  }
0x17: {  	s9 =	smov.u32 s22;
	s1 =	sadd.s32 $0x8, s22;
	p2 =	sgt.s32 s5, $0x1  }
0x18: {  	s9 =	smov.u32 @p2 s1  }
0x19: {  	s10 =	smov.u32 s23;
	s1 =	sadd.s32 $0x20, s23;
	p3 =	sgt.s32 s9, $0xB  }
0x1a: {  	p0 =	slt.u32 s25, $0x2;
	s11 =	smov.u32 s24;
	s10 =	smov.u32 @p3 s1  }
0x1b: {  	s26 =	smov.u32 s20;
	s1 =	sadd.s32 $0x10, s24;
	p4 =	sgt.s32 s10, $0x1F  }
0x1c: {  	s27 =	smov.u32 s21;
	s29 =	smov.u32 s22;
	s11 =	smov.u32 @p4 s1  }
0x1d: {  	s28 =	smov.u32 s23;
	s0 =	simm.s32 @p1 $0x0;
	p1 =	sgt.s32 s11, $0xF  }
0x1e: {  	s31 =	smov.u32 s24;
	s11 =	smov.u32 @p1 s4;
	p1 =	sne.s32 s25, s16  }
.Ltmp1:
0x1f: {  	s19 =	sadd.s32 $0x4000, s19;
	s5 =	smov.u32 @p2 s2;
	(pc) =	sbr.rel @!p1 .LBB1_8-.Ltmp1, $4  }
0x20: {  	s20 =	smov.u32 s0;
	s21 =	smov.u32 s5;
	s1 =	simm.s32 @!p0 $0x2  }
0x21: {  	s9 =	smov.u32 @p3 s3;
	s10 =	simm.s32 @p4 $0x0;
	_ =	swait.ge @!p0 [sflag:s1], $0x4000  }
0x22: {  	s22 =	smov.u32 s9;
	s23 =	smov.u32 s10;
	[sflag:s1] =	ssyncset.done @!p0 $0x0  }
0x23: {  	s25 =	sadd.s32 $0x1, s25;
	[sflag:s1] =	ssyncadd.s32 @!p0 $0xFFFFC000;
	s24 =	smov.u32 s11  }
.LBB1_1:
0x24: {  	p0 =	sge.u32 s25, s8  }
0x25: {  	s0 =	smul.u32 @!p0 $0x30000, s24  }
0x26: {  	s1 =	smul.u32 @!p0 $0x1800, s23  }
0x27: {  	s30 =	sadd.s32 $0xFFFFFFFF, s25;
	s5 =	sxor.u32 @!p0 $0xFFFFFFFF, s25;
	s0 =	sadd.s32 @!p0 s7, s0  }
0x28: {  	s9 =	sshll.u32 @!p0 s22, $0x9;
	s10 =	sshll.u32 @!p0 s20, $0x4;
	s0 =	sadd.s32 @!p0 s1, s0  }
0x29: {  	s5 =	sshll.u32 @!p0 s5, $0xE;
	s1 =	sshll.u32 @!p0 s21, $0x8;
	s0 =	sadd.s32 @!p0 s9, s0  }
0x2a: {  	s5 =	sand.u32 @!p0 $0x4000, s5;
	s9 =	sand.u32 @!p0 $0xF0, s10;
	s0 =	sadd.s32 @!p0 s1, s0  }
0x2b: {  	s1 =	simm.s32 @!p0 $0x40;
	s0 =	sadd.s32 @!p0 s9, s0;
	s9 =	simm.s32 @!p0 $0xC000  }
0x2c: {  	[tilespmem:s5], [sflag:$0x1] =	stream.strided.gather @!p0 [hbm4b:s0+s1], $0x4000, s9, s1, $0x38;
	[tilespmem:$0x10000] =	vst v63  }
0x2d: {  	p0 =	sge.u32 s30, s8  }
.Ltmp2:
0x2e: {  	_ = 	snop;
	(pc) =	sbr.rel @p0 .LBB1_7-.Ltmp2, $1  }
0x2f: {  	_ =	sdelay $0x3  }
0x30: {  	s1 =	sand.u32 $0x4000, s19  }
0x31: {  	_ =	swait.ge [sflag:s6], $0x4000;
	s5 =	sshll.u32 s25, $0xE;
	s9 =	simm.s32 $0x0  }
0x32: {  	s0 =	sor.u32 $0x30, s1;
	[sflag:s6] =	ssyncset.done $0x0;
	s30 =	sand.u32 $0x4000, s5  }
0x33: {  	s1 =	sor.u32 $0x8020, s1;
	[sflag:s6] =	ssyncadd.s32 $0xFFFFC000;
	s5 =	sor.u32 $0x8000, s30  }
.LBB1_3:
0x34: {  	v1 =	vmov s0;
	_ =	sdelay $0x3  }
0x35: {  	s10 =	simm.s32 $0x0  }
0x36: {  	v3 =	vld.idx.msk [tilespmem:v1+s10+$0x0 ss:$0x1], $0xffff  }
0x37: {  	v0 =	vmov s1;
	v4 =	vld.idx.msk [tilespmem:v1+s10+$0xFFFFFFD0 ss:$0x1], $0xffff  }
0x38: {  	v2 =	vld.idx.msk [tilespmem:v1+s10+$0xFFFFFFE0 ss:$0x1], $0xffff  }
0x39: {  	s11 =	simm.s32 $0x100;
	v5 =	vld.idx.msk [tilespmem:v1+s10+$0xFFFFFFF0 ss:$0x1], $0xffff  }
.LBB1_4:
0x3a: {  	p0 =	sne.s32 s11, $0x1F00  }
.Ltmp3:
0x3b: {  	s12 =	sshra.s32 s11, $0x2;
	s11 =	sadd.s32 $0x100, s11;
	(pc) =	sbr.rel @p0 .LBB1_4-.Ltmp3, $4  }
0x3c: {  	[tilespmem:v0+s10+$0x10 ss:$0x1] =	vst.idx.msk $0xffff, v3;
	v3 =	vld.idx.msk [tilespmem:v1+s12+$0x0 ss:$0x1], $0xffff  }
0x3d: {  	[tilespmem:v0+s10+$0xFFFFFFE0 ss:$0x1] =	vst.idx.msk $0xffff, v4;
	v4 =	vld.idx.msk [tilespmem:v1+s12+$0xFFFFFFD0 ss:$0x1], $0xffff  }
0x3e: {  	[tilespmem:v0+s10+$0xFFFFFFF0 ss:$0x1] =	vst.idx.msk $0xffff, v2;
	v2 =	vld.idx.msk [tilespmem:v1+s12+$0xFFFFFFE0 ss:$0x1], $0xffff  }
0x3f: {  	[tilespmem:v0+s10+$0x0 ss:$0x1] =	vst.idx.msk $0xffff, v5;
	v5 =	vld.idx.msk [tilespmem:v1+s12+$0xFFFFFFF0 ss:$0x1], $0xffff;
	s10 =	smov.u32 s12  }
0x40: {  	_ = 	snop  }
0x41: {  	s9 =	sadd.s32 $0x1, s9  }
0x42: {  	p0 =	sne.s32 s9, $0x8  }
.Ltmp4:
0x43: {  	_ = 	snop;
	(pc) =	sbr.rel @p0 .LBB1_3-.Ltmp4, $4  }
0x44: {  	[tilespmem:v0+s10+$0x10 ss:$0x1] =	vst.idx.msk $0xffff, v3  }
0x45: {  	[tilespmem:v0+s10+$0xFFFFFFE0 ss:$0x1] =	vst.idx.msk $0xffff, v4  }
0x46: {  	[tilespmem:v0+s10+$0xFFFFFFF0 ss:$0x1] =	vst.idx.msk $0xffff, v2  }
0x47: {  	s0 =	sadd.s32 $0x800, s0;
	s1 =	sadd.s32 $0x800, s1;
	[tilespmem:v0+s10+$0x0 ss:$0x1] =	vst.idx.msk $0xffff, v5  }
0x48: {  	s0 =	smul.u32 $0x30000, s29  }
0x49: {  	s1 =	smul.u32 $0x18000, s27  }
0x4a: {  	s9 =	smul.u32 $0x1800, s31  }
0x4b: {  	s0 =	sadd.s32 s0, s1  }
0x4c: {  	s28 =	sshll.u32 s28, $0x4;
	s11 =	rddreg [dreg:$0x1];
	s10 =	sadd.s32 s9, s0  }
0x4d: {  	s1 =	sand.u32 $0x1F0, s28;
	s10 =	sadd.s32 s11, s10  }
0x4e: {  	s11 =	sshll.u32 s26, $0x9;
	s10 =	sadd.s32 s1, s10  }
0x4f: {  	s29 =	rddreg [dreg:$0x3];
	s10 =	sadd.s32 s11, s10  }
0x50: {  	[hbm4b:s10+s17] =	stream.strided.scatter [tilespmem:s5], [sflag:$0x2], $0x800, s18, s17, $0x38;
	[tilespmem:$0x10000] =	vst v63  }
0x51: {  	s5 =	sadd.s32 s9, s29  }
0x52: {  	s5 =	sadd.s32 s1, s5  }
0x53: {  	s5 =	sadd.s32 s0, s5  }
0x54: {  	s31 =	sadd.s32 $0x8800, s30;
	s12 =	rddreg [dreg:$0x4];
	s5 =	sadd.s32 s11, s5  }
0x55: {  	[hbm4b:s5+s17] =	stream.strided.scatter [tilespmem:s31], [sflag:$0x2], $0x800, s18, s17, $0x38;
	[tilespmem:$0x10000] =	vst v63  }
0x56: {  	s5 =	sadd.s32 s9, s12  }
0x57: {  	s5 =	sadd.s32 s1, s5  }
0x58: {  	s5 =	sadd.s32 s0, s5  }
0x59: {  	s27 =	rddreg [dreg:$0x5];
	s26 =	sadd.s32 $0x9000, s30;
	s5 =	sadd.s32 s11, s5  }
0x5a: {  	[hbm4b:s5+s17] =	stream.strided.scatter [tilespmem:s26], [sflag:$0x2], $0x800, s18, s17, $0x38;
	[tilespmem:$0x10000] =	vst v63  }
0x5b: {  	s5 =	sadd.s32 s9, s27  }
0x5c: {  	s5 =	sadd.s32 s1, s5  }
0x5d: {  	s5 =	sadd.s32 s0, s5  }
0x5e: {  	s28 =	sadd.s32 $0x9800, s30;
	s29 =	rddreg [dreg:$0x6];
	s5 =	sadd.s32 s11, s5  }
0x5f: {  	[hbm4b:s5+s17] =	stream.strided.scatter [tilespmem:s28], [sflag:$0x2], $0x800, s18, s17, $0x38;
	[tilespmem:$0x10000] =	vst v63  }
0x60: {  	s5 =	sadd.s32 s9, s29  }
0x61: {  	s5 =	sadd.s32 s1, s5  }
0x62: {  	s5 =	sadd.s32 s0, s5  }
0x63: {  	s31 =	sadd.s32 $0xA000, s30;
	s12 =	sadd.s32 s9, s13;
	s5 =	sadd.s32 s11, s5  }
0x64: {  	[hbm4b:s5+s17] =	stream.strided.scatter [tilespmem:s31], [sflag:$0x2], $0x800, s18, s17, $0x38;
	[tilespmem:$0x10000] =	vst v63  }
0x65: {  	s5 =	sadd.s32 s1, s12  }
0x66: {  	s5 =	sadd.s32 s0, s5  }
0x67: {  	s26 =	sadd.s32 $0xA800, s30;
	s27 =	sadd.s32 s9, s14;
	s5 =	sadd.s32 s11, s5  }
0x68: {  	[hbm4b:s5+s17] =	stream.strided.scatter [tilespmem:s26], [sflag:$0x2], $0x800, s18, s17, $0x38;
	[tilespmem:$0x10000] =	vst v63  }
0x69: {  	s29 =	sadd.s32 s9, s15;
	s5 =	sadd.s32 s1, s27  }
.Ltmp5:
0x6a: {  	s1 =	sadd.s32 s1, s29;
	s5 =	sadd.s32 s0, s5;
	(pc) =	sbr.rel .LBB1_7-.Ltmp5, $4  }
0x6b: {  	s28 =	sadd.s32 $0xB000, s30;
	s0 =	sadd.s32 s0, s1;
	s5 =	sadd.s32 s11, s5  }
0x6c: {  	[hbm4b:s5+s17] =	stream.strided.scatter [tilespmem:s28], [sflag:$0x2], $0x800, s18, s17, $0x38;
	[tilespmem:$0x10000] =	vst v63  }
0x6d: {  	s31 =	sadd.s32 $0xB800, s30;
	s0 =	sadd.s32 s11, s0  }
0x6e: {  	[hbm4b:s0+s17] =	stream.strided.scatter [tilespmem:s31], [sflag:$0x2], $0x800, s18, s17, $0x38;
	[tilespmem:$0x10000] =	vst v63  }
.LBB1_8:
0x6f: {  	_ =	sfence.sel $0x180000  }
0x70: {  	s0 =	simm.s32 $0x1;
	[bflag:$0x0] =	sbarrier.arrive $0xFFFF  }
0x71: {  	s30 =	simm.s32 $0x2;
	[sflag:s0] =	ssyncpa.u1 $0x1  }
0x72: {  	[sflag:s30] =	ssyncpa.u1 $0x1  }
0x73: {  	_ =	strace $0x9000004D  }
0x74: {  	s31 =	stileid.u32;
	[bflag:$0x2] =	sbarrier.arrive $0xFFFF  }
0x75: {  	p0 =	sne.s32 s31, $0x0;
	s0 =	rddreg [dreg:$0x2]  }
0x76: {  	s0 =	sadd.s32 @!p0 $0x100000, s0  }
0x77: {  	[sflag:s0] =	ssyncadd.tile.s32 @!p0 $0x1;
	_ =	shalt  }
.Lfunc_end1:
_tile_overlayer_lowered:
.L_overlay_start_2:
0x78: {  	(tag) =	ssettag $0x2  }
0x79: {  	s0 =	rddreg [dreg:$0x0];
	s2 =	stileid.u32  }
0x7a: {  	s1 =	rddreg [dreg:$0x1];
	p0 =	sne.s32 s2, $0x0  }
0x7b: {  	s3 =	rddreg [dreg:$0x2];
	[bflag:$0x3] =	sbarrier.arrive $0xFFFF;
	s2 =	simm.s32 @!p0 $0x1C01  }
0x7c: {  	[timem:s3], [sflag:s2] =	dma.local @!p0 [hbm:s0], s1  }
0x7d: {  	s0 =	simm.s32 @!p0 $0x1  }
0x7e: {  	_ =	swait.ge @!p0 [sflag:s0], s1  }
0x7f: {  	s1 =	ssub.s32 @!p0 $0x0, s1;
	[sflag:s0] =	ssyncset.done @!p0 $0x0  }
0x80: {  	[sflag:s0] =	ssyncadd.s32 @!p0 s1  }
0x81: {  	[bflag:$0x3] =	sbarrier.arrive $0xFFFF  }
0x82: {  	_ =	shalt  }

</sc_bundles>
